<compile_context>
chip_gen: v7x
topology: tpu7x:2x2x1
jax: 0.10.2.dev20260603
libtpu: 0.0.44.dev20260713+nightly
codegen_flags: <defaults>
</compile_context>

<pallas_src>
import functools

import jax
import jax.numpy as jnp
from jax import lax
from jax.experimental import pallas as pl
from jax.experimental.pallas import tpu as pltpu
from jax.experimental.pallas import tpu_sc as plsc

_DIM = 32
_HALF = 512


def _sc_embed(ids_native, table):
    n = ids_native.shape[0]
    info = plsc.get_sparse_core_info()
    nc, ns, lanes = info.num_cores, info.num_subcores, info.num_lanes
    nw = nc * ns
    assert n % nw == 0
    per_w = n // nw
    assert per_w % (2 * _HALF) == 0
    n_half = per_w // _HALF
    n_iter = n_half // 2
    units_per_w = per_w // 1024
    groups = _HALF // lanes

    @functools.partial(
        pl.kernel,
        mesh=plsc.VectorSubcoreMesh(core_axis_name="c", subcore_axis_name="s"),
        out_type=jax.ShapeDtypeStruct(
            (n // 4096, 4, 32, 8, 128), jnp.float32
        ),
        compiler_params=pltpu.CompilerParams(
            use_tc_tiling_on_sc=False, needs_layout_passes=False
        ),
        scratch_types=[
            pltpu.VMEM((per_w,), jnp.int32),
            pltpu.VMEM((_HALF, _DIM), jnp.float32),
            pltpu.VMEM((_HALF, _DIM), jnp.float32),
            pltpu.VMEM((4, 4, 1, 8, 129), jnp.float32),
            pltpu.VMEM((4, 4, 1, 8, 129), jnp.float32),
            pltpu.SemaphoreType.DMA,
            pltpu.SemaphoreType.DMA,
            pltpu.SemaphoreType.DMA,
            pltpu.SemaphoreType.DMA,
        ],
    )
    def run(table_hbm, ids_hbm, out_hbm, idx_all, rows_a, rows_b,
            trans_a, trans_b, ga, gb, oa, ob):
        wid = lax.axis_index("s") * nc + lax.axis_index("c")
        kbase = wid * per_w
        u0 = wid * units_per_w

        pltpu.sync_copy(ids_hbm.at[pl.ds(kbase, per_w)], idx_all)

        iota16 = lax.iota(jnp.int32, lanes)
        chivec = lax.shift_right_logical(iota16, 3)
        clovec = lax.bitwise_and(iota16, 7)
        zerovec = jnp.zeros((lanes,), jnp.int32)
        bufs = ((rows_a, trans_a, ga, oa), (rows_b, trans_b, gb, ob))

        def gather(h, rows, gsem):
            pltpu.async_copy(
                table_hbm.at[idx_all.at[pl.ds(h * _HALF, _HALF)]], rows, gsem
            )

        gather(0, rows_a, ga)
        gather(1, rows_b, gb)

        def body(i2, _):
            for p, (rows, trans, gsem, osem) in enumerate(bufs):
                h = 2 * i2 + p
                u = u0 + i2
                b1_hi = lax.shift_right_logical(u, 5)
                b0_hi = lax.bitwise_and(u, 31)
                hloc = h * _HALF

                pltpu.make_async_copy(
                    table_hbm.at[pl.ds(0, _HALF)], rows, gsem
                ).wait()

                def min_body(g, a):
                    return jnp.minimum(
                        a, idx_all[pl.ds(hloc + g * lanes, lanes)]
                    )

                accv = lax.fori_loop(
                    0, groups, min_body, jnp.full((lanes,), 1, jnp.int32)
                )

                @pl.when(jnp.min(accv) == 0)
                def _():
                    def scan_body(g, _):
                        v = idx_all[pl.ds(hloc + g * lanes, lanes)]
                        m = v == 0
                        cnt = jnp.sum(jnp.where(m, 1, 0))

                        @pl.when(cnt > 0)
                        def _():
                            rvec = g * lanes + iota16
                            zero = jnp.zeros((lanes,), jnp.float32)
                            for j in range(_DIM):
                                cvec = jnp.full((lanes,), j, jnp.int32)
                                plsc.store_scatter(
                                    rows, [rvec, cvec], zero, mask=m
                                )

                        return 0

                    lax.fori_loop(0, groups, scan_body, 0)

                @pl.when(i2 >= 1)
                def _():
                    pltpu.make_async_copy(
                        out_hbm.at[pl.ds(0, 4), :, pl.ds(0, 1), :, :],
                        trans.at[:, :, :, :, pl.ds(0, 128)],
                        osem,
                    ).wait()

                @plsc.parallel_loop(0, _HALF, unroll=8)
                def _(r):
                    b1l = lax.shift_right_logical(r, 7)
                    b0 = lax.bitwise_and(r, 127)
                    v0 = rows[r, pl.ds(0, lanes)]
                    v1 = rows[r, pl.ds(lanes, lanes)]
                    i0 = jnp.full((lanes,), b1l, jnp.int32)
                    i4 = jnp.full((lanes,), b0, jnp.int32)
                    plsc.store_scatter(
                        trans, [i0, chivec, zerovec, clovec, i4], v0
                    )
                    plsc.store_scatter(
                        trans, [i0, chivec + 2, zerovec, clovec, i4], v1
                    )

                b1base = b1_hi * 8 + p * 4
                pltpu.async_copy(
                    trans.at[:, :, :, :, pl.ds(0, 128)],
                    out_hbm.at[
                        pl.ds(b1base, 4), :, pl.ds(b0_hi, 1), :, :
                    ],
                    osem,
                )

                @pl.when(i2 < n_iter - 1)
                def _():
                    gather(h + 2, rows, gsem)

            return 0

        lax.fori_loop(0, n_iter, body, 0)

        for p, (rows, trans, gsem, osem) in enumerate(bufs):
            pltpu.make_async_copy(
                out_hbm.at[pl.ds(0, 4), :, pl.ds(0, 1), :, :],
                trans.at[:, :, :, :, pl.ds(0, 128)],
                osem,
            ).wait()

    return run(table, ids_native)


def kernel(input_ids, embedding_matrix):
    b, s = input_ids.shape
    ids_native = (
        input_ids.T.astype(jnp.int32)
        .reshape(s // 8, 8, b // 128, 128)
        .transpose(0, 2, 1, 3)
        .reshape(b * s)
    )
    out5 = _sc_embed(ids_native, embedding_matrix)
    return out5.transpose(2, 4, 0, 1, 3).reshape(b, s, _DIM)

# --- scband reference (transcript-rebuilt; emitter-appended) ---
"""Pipeline reference for scband-embedding-82755429859401 (READ-ONLY COPY).

The authoritative reference and input builder live on the scoring server;
editing this copy changes nothing except your own understanding.
"""

import jax, jax.numpy as jnp
import numpy as np

NUM_EMBEDDINGS = 1000000
EMBEDDING_DIM = 32
PADDING_IDX = 0


def setup_inputs(seed: int = 0) -> dict:
    key = jax.random.key(seed)
    k_ids, k_tab = jax.random.split(key)
    input_ids = jax.random.randint(k_ids, (4096, 200), 0, NUM_EMBEDDINGS, dtype=jnp.int64 if jax.config.jax_enable_x64 else jnp.int32)
    embedding_matrix = jax.random.normal(k_tab, (NUM_EMBEDDINGS, EMBEDDING_DIM), dtype=jnp.float32)
    return {"input_ids": input_ids, "embedding_matrix": embedding_matrix}


def reference(input_ids, embedding_matrix):
    mask = (input_ids != PADDING_IDX)[..., None].astype(jnp.float32)
    embeddings = jnp.take(embedding_matrix, input_ids, axis=0)
    return embeddings * mask

if __name__ == "__main__":
    import jax
    _d = setup_inputs()
    print(jax.jit(kernel)(*tuple(_d.values())))

</pallas_src>

<mosaic_0001>
#map = affine_map<(d0, d1) -> (0, 0)>
#map1 = affine_map<(d0, d1) -> (0)>
#map2 = affine_map<(d0, d1) -> (0, 0, 0, 0, 0)>
module attributes {stable_mosaic.version = 14 : i64} {
  func.func @run(%arg0: i32, %arg1: i32, %arg2: memref<1000000x32xf32, #tpu.memory_space<hbm>>, %arg3: memref<819200xi32, #tpu.memory_space<hbm>>, %arg4: memref<200x4x32x8x128xf32, #tpu.memory_space<hbm>>, %arg5: memref<25600xi32, #tpu.memory_space<vmem>>, %arg6: memref<512x32xf32, #tpu.memory_space<vmem>>, %arg7: memref<512x32xf32, #tpu.memory_space<vmem>>, %arg8: memref<4x4x1x8x129xf32, #tpu.memory_space<vmem>>, %arg9: memref<4x4x1x8x129xf32, #tpu.memory_space<vmem>>, %arg10: memref<!tpu.dma_semaphore, #tpu.memory_space<semaphore_mem>>, %arg11: memref<!tpu.dma_semaphore, #tpu.memory_space<semaphore_mem>>, %arg12: memref<!tpu.dma_semaphore, #tpu.memory_space<semaphore_mem>>, %arg13: memref<!tpu.dma_semaphore, #tpu.memory_space<semaphore_mem>>) attributes {dimension_semantics = [#tpu.dimension_semantics<core_parallel>, #tpu.dimension_semantics<subcore_parallel>], iteration_bounds = array<i64: 2, 16>, scalar_prefetch = 0 : i64, scratch_operands = 9 : i64, tpu.core_type = #tpu.core_type<sc_vector_subcore>, window_params = [{transform_indices = #map}, {transform_indices = #map1}, {transform_indices = #map2}]} {
    %mul3A = arith.constant 2 : i32
    %mul3A_0 = arith.muli %arg1, %mul3A : i32
    %add3A = arith.addi %mul3A_0, %arg0 : i32
    %mul3A_1 = arith.constant 25600 : i32
    %mul3A_2 = arith.muli %add3A, %mul3A_1 : i32
    %mul3A_3 = arith.constant 25 : i32
    %mul3A_4 = arith.muli %add3A, %mul3A_3 : i32
    "tpu.region"() ({
      %run_scoped3A = tpu.sem_alloc : memref<!tpu.dma_semaphore, #tpu.memory_space<semaphore_mem>>
      %dma_start3A_72 = tpu.memref_slice %arg3[%mul3A_2] : memref<819200xi32, #tpu.memory_space<hbm>> -> memref<25600xi32, #tpu.memory_space<hbm>>
      %dma_start3A_73 = tpu.memref_slice %arg3[%mul3A_2] : memref<819200xi32, #tpu.memory_space<hbm>> -> memref<25600xi32, #tpu.memory_space<hbm>>
      tpu.enqueue_dma source(%dma_start3A_73 : memref<25600xi32, #tpu.memory_space<hbm>>) target(%arg5 : memref<25600xi32, #tpu.memory_space<vmem>>) target_semaphore(%run_scoped3A : memref<!tpu.dma_semaphore, #tpu.memory_space<semaphore_mem>>)
      %dma_wait3A_74 = tpu.memref_slice %arg3[%mul3A_2] : memref<819200xi32, #tpu.memory_space<hbm>> -> memref<25600xi32, #tpu.memory_space<hbm>>
      %dma_wait3A_75 = tpu.memref_slice %arg3[%mul3A_2] : memref<819200xi32, #tpu.memory_space<hbm>> -> memref<25600xi32, #tpu.memory_space<hbm>>
      tpu.wait_dma2 semaphore(%run_scoped3A : memref<!tpu.dma_semaphore, #tpu.memory_space<semaphore_mem>>) src(%dma_wait3A_75 : memref<25600xi32, #tpu.memory_space<hbm>>) dst(%arg5 : memref<25600xi32, #tpu.memory_space<vmem>>)
      tpu.yield
    }) : () -> ()
    %iota3A = tpu.iota {dimensions = array<i32: 0>} : vector<16xi32>
    %shift_right_logical3A = arith.constant 3 : i32
    %shift_right_logical3A_5 = vector.broadcast %shift_right_logical3A : i32 to vector<16xi32>
    %shift_right_logical3A_6 = arith.shrui %iota3A, %shift_right_logical3A_5 : vector<16xi32>
    %and3A = arith.constant 7 : i32
    %and3A_7 = vector.broadcast %and3A : i32 to vector<16xi32>
    %and3A_8 = arith.andi %iota3A, %and3A_7 : vector<16xi32>
    %broadcast_in_dim3A = arith.constant 0 : i32
    %broadcast_in_dim3A_9 = vector.broadcast %broadcast_in_dim3A : i32 to vector<16xi32>
    %dma_start3A = arith.constant 0 : i32
    %dma_start3A_10 = tpu.memref_slice %arg5[%dma_start3A] : memref<25600xi32, #tpu.memory_space<vmem>> -> memref<512xi32, #tpu.memory_space<vmem>>
    %dma_start3A_11 = arith.constant 0 : i32
    %dma_start3A_12 = arith.constant 0 : i32
    %dma_start3A_13 = tpu.memref_slice %arg2[%dma_start3A_11, %dma_start3A_12] : memref<1000000x32xf32, #tpu.memory_space<hbm>> -> memref<1000000x32xf32, #tpu.memory_space<hbm>>
    tpu.enqueue_indirect_dma source(%dma_start3A_13 : memref<1000000x32xf32, #tpu.memory_space<hbm>>) target(%arg6 : memref<512x32xf32, #tpu.memory_space<vmem>>) offsets(%dma_start3A_10 : memref<512xi32, #tpu.memory_space<vmem>>) semaphore(%arg10 : memref<!tpu.dma_semaphore, #tpu.memory_space<semaphore_mem>>)
    %dma_start3A_14 = arith.constant 512 : i32
    %dma_start3A_15 = tpu.memref_slice %arg5[%dma_start3A_14] : memref<25600xi32, #tpu.memory_space<vmem>> -> memref<512xi32, #tpu.memory_space<vmem>>
    %dma_start3A_16 = arith.constant 0 : i32
    %dma_start3A_17 = arith.constant 0 : i32
    %dma_start3A_18 = tpu.memref_slice %arg2[%dma_start3A_16, %dma_start3A_17] : memref<1000000x32xf32, #tpu.memory_space<hbm>> -> memref<1000000x32xf32, #tpu.memory_space<hbm>>
    tpu.enqueue_indirect_dma source(%dma_start3A_18 : memref<1000000x32xf32, #tpu.memory_space<hbm>>) target(%arg7 : memref<512x32xf32, #tpu.memory_space<vmem>>) offsets(%dma_start3A_15 : memref<512xi32, #tpu.memory_space<vmem>>) semaphore(%arg11 : memref<!tpu.dma_semaphore, #tpu.memory_space<semaphore_mem>>)
    %scan3A = arith.constant 0 : i32
    %scan3A_19 = arith.constant 0 : i32
    %scan3A_20 = arith.constant 25 : i32
    %scan3A_21 = arith.addi %scan3A_19, %scan3A_20 : i32
    %scan3A_22 = arith.constant 1 : i32
    %scan3A_23 = scf.for %scan3A_72 = %scan3A_19 to %scan3A_21 step %scan3A_22 iter_args(%scan3A_73 = %scan3A) -> (i32)  : i32 {
      %mul3A_74 = arith.constant 2 : i32
      %mul3A_75 = arith.muli %mul3A_74, %scan3A_72 : i32
      %add3A_76 = arith.constant 0 : i32
      %add3A_77 = arith.addi %mul3A_75, %add3A_76 : i32
      %add3A_78 = arith.addi %mul3A_4, %scan3A_72 : i32
      %shift_right_logical3A_79 = arith.constant 5 : i32
      %shift_right_logical3A_80 = arith.shrui %add3A_78, %shift_right_logical3A_79 : i32
      %and3A_81 = arith.constant 31 : i32
      %and3A_82 = arith.andi %add3A_78, %and3A_81 : i32
      %mul3A_83 = arith.constant 512 : i32
      %mul3A_84 = arith.muli %add3A_77, %mul3A_83 : i32
      %dma_wait3A_85 = arith.constant 0 : i32
      %dma_wait3A_86 = arith.constant 0 : i32
      %dma_wait3A_87 = tpu.memref_slice %arg2[%dma_wait3A_85, %dma_wait3A_86] : memref<1000000x32xf32, #tpu.memory_space<hbm>> -> memref<512x32xf32, #tpu.memory_space<hbm>>
      %dma_wait3A_88 = arith.constant 0 : i32
      %dma_wait3A_89 = arith.constant 0 : i32
      %dma_wait3A_90 = tpu.memref_slice %arg2[%dma_wait3A_88, %dma_wait3A_89] : memref<1000000x32xf32, #tpu.memory_space<hbm>> -> memref<512x32xf32, #tpu.memory_space<hbm>>
      tpu.wait_dma2 semaphore(%arg10 : memref<!tpu.dma_semaphore, #tpu.memory_space<semaphore_mem>>) src(%dma_wait3A_90 : memref<512x32xf32, #tpu.memory_space<hbm>>) dst(%arg6 : memref<512x32xf32, #tpu.memory_space<vmem>>)
      %broadcast_in_dim3A_91 = arith.constant 1 : i32
      %broadcast_in_dim3A_92 = vector.broadcast %broadcast_in_dim3A_91 : i32 to vector<16xi32>
      %scan3A_93 = arith.constant 0 : i32
      %scan3A_94 = arith.constant 32 : i32
      %scan3A_95 = arith.addi %scan3A_93, %scan3A_94 : i32
      %scan3A_96 = arith.constant 1 : i32
      %scan3A_97 = scf.for %scan3A_218 = %scan3A_93 to %scan3A_95 step %scan3A_96 iter_args(%scan3A_219 = %broadcast_in_dim3A_92) -> (vector<16xi32>)  : i32 {
        %mul3A_220 = arith.constant 16 : i32
        %mul3A_221 = arith.muli %scan3A_218, %mul3A_220 : i32
        %add3A_222 = arith.addi %mul3A_84, %mul3A_221 : i32
        %get3A = arith.index_cast %add3A_222 : i32 to index
        %get3A_223 = tpu.vector_load %arg5[%get3A] {strides = array<i32>} : memref<25600xi32, #tpu.memory_space<vmem>>, vector<16xi32>,
        %min3A = arith.minsi %scan3A_219, %get3A_223 : vector<16xi32>
        scf.yield %min3A : vector<16xi32>
      }
      %scan3A_98 = arith.constant 32 : i32
      %reduce_min3A = arith.constant true
      %reduce_min3A_99 = vector.broadcast %reduce_min3A : i1 to vector<16xi1>
      %reduce_min3A_100 = arith.constant -2147483648 : i32
      %reduce_min3A_101 = vector.broadcast %reduce_min3A_100 : i32 to vector<16xi32>
      %reduce_min3A_102 = arith.xori %scan3A_97, %reduce_min3A_101 : vector<16xi32>
      %reduce_min3A_103 = tpu.scan <min>, %reduce_min3A_102 masked %reduce_min3A_99 : vector<16xi32>, vector<16xi1> -> vector<16xi32>
      %reduce_min3A_104 = arith.xori %reduce_min3A_103, %reduce_min3A_101 : vector<16xi32>
      %reduce_min3A_105 = vector.extract %reduce_min3A_104[15] : i32 from vector<16xi32>
      %eq3A = arith.constant 0 : i32
      %eq3A_106 = arith.cmpi eq, %reduce_min3A_105, %eq3A : i32
      %convert_element_type3A = arith.extui %eq3A_106 : i1 to i32
      %cond3A = arith.constant 0 : i32
      %cond3A_107 = arith.cmpi ne, %convert_element_type3A, %cond3A : i32
      scf.if %cond3A_107 {
        %scan3A_218 = arith.constant 0 : i32
        %scan3A_219 = arith.constant 0 : i32
        %scan3A_220 = arith.constant 32 : i32
        %scan3A_221 = arith.addi %scan3A_219, %scan3A_220 : i32
        %scan3A_222 = arith.constant 1 : i32
        %scan3A_223 = scf.for %scan3A_225 = %scan3A_219 to %scan3A_221 step %scan3A_222 iter_args(%scan3A_226 = %scan3A_218) -> (i32)  : i32 {
          %mul3A_227 = arith.constant 16 : i32
          %mul3A_228 = arith.muli %scan3A_225, %mul3A_227 : i32
          %add3A_229 = arith.addi %mul3A_84, %mul3A_228 : i32
          %get3A = arith.index_cast %add3A_229 : i32 to index
          %get3A_230 = tpu.vector_load %arg5[%get3A] {strides = array<i32>} : memref<25600xi32, #tpu.memory_space<vmem>>, vector<16xi32>,
          %eq3A_231 = arith.constant 0 : i32
          %eq3A_232 = vector.broadcast %eq3A_231 : i32 to vector<16xi32>
          %eq3A_233 = arith.cmpi eq, %get3A_230, %eq3A_232 : vector<16xi32>
          %jit3A = arith.constant 1 : i32
          %jit3A_234 = arith.constant 0 : i32
          %broadcast_in_dim3A_235 = vector.broadcast %jit3A : i32 to vector<16xi32>
          %broadcast_in_dim3A_236 = vector.broadcast %jit3A_234 : i32 to vector<16xi32>
          %select_n3A = arith.select %eq3A_233, %broadcast_in_dim3A_235, %broadcast_in_dim3A_236 : vector<16xi1>, vector<16xi32>
          %reduce_sum3A = arith.constant true
          %reduce_sum3A_237 = vector.broadcast %reduce_sum3A : i1 to vector<16xi1>
          %reduce_sum3A_238 = tpu.scan <sum>, %select_n3A masked %reduce_sum3A_237 : vector<16xi32>, vector<16xi1> -> vector<16xi32>
          %reduce_sum3A_239 = vector.extract %reduce_sum3A_238[15] : i32 from vector<16xi32>
          %gt3A = arith.constant 0 : i32
          %gt3A_240 = arith.cmpi sgt, %reduce_sum3A_239, %gt3A : i32
          %convert_element_type3A_241 = arith.extui %gt3A_240 : i1 to i32
          %cond3A_242 = arith.constant 0 : i32
          %cond3A_243 = arith.cmpi ne, %convert_element_type3A_241, %cond3A_242 : i32
          scf.if %cond3A_243 {
            %mul3A_245 = arith.constant 16 : i32
            %mul3A_246 = arith.muli %scan3A_225, %mul3A_245 : i32
            %add3A_247 = vector.broadcast %mul3A_246 : i32 to vector<16xi32>
            %add3A_248 = arith.addi %add3A_247, %iota3A : vector<16xi32>
            %broadcast_in_dim3A_249 = arith.constant 0.000000e+00 : f32
            %broadcast_in_dim3A_250 = vector.broadcast %broadcast_in_dim3A_249 : f32 to vector<16xf32>
            %broadcast_in_dim3A_251 = arith.constant 0 : i32
            %broadcast_in_dim3A_252 = vector.broadcast %broadcast_in_dim3A_251 : i32 to vector<16xi32>
            tpu.vector_store_idx %arg6[%add3A_248, %broadcast_in_dim3A_252], %broadcast_in_dim3A_250 masked %eq3A_233 : memref<512x32xf32, #tpu.memory_space<vmem>>[vector<16xi32>, vector<16xi32>], vector<16xf32>, vector<16xi1>
            %broadcast_in_dim3A_253 = arith.constant 1 : i32
            %broadcast_in_dim3A_254 = vector.broadcast %broadcast_in_dim3A_253 : i32 to vector<16xi32>
            tpu.vector_store_idx %arg6[%add3A_248, %broadcast_in_dim3A_254], %broadcast_in_dim3A_250 masked %eq3A_233 : memref<512x32xf32, #tpu.memory_space<vmem>>[vector<16xi32>, vector<16xi32>], vector<16xf32>, vector<16xi1>
            %broadcast_in_dim3A_255 = arith.constant 2 : i32
            %broadcast_in_dim3A_256 = vector.broadcast %broadcast_in_dim3A_255 : i32 to vector<16xi32>
            tpu.vector_store_idx %arg6[%add3A_248, %broadcast_in_dim3A_256], %broadcast_in_dim3A_250 masked %eq3A_233 : memref<512x32xf32, #tpu.memory_space<vmem>>[vector<16xi32>, vector<16xi32>], vector<16xf32>, vector<16xi1>
            %broadcast_in_dim3A_257 = arith.constant 3 : i32
            %broadcast_in_dim3A_258 = vector.broadcast %broadcast_in_dim3A_257 : i32 to vector<16xi32>
            tpu.vector_store_idx %arg6[%add3A_248, %broadcast_in_dim3A_258], %broadcast_in_dim3A_250 masked %eq3A_233 : memref<512x32xf32, #tpu.memory_space<vmem>>[vector<16xi32>, vector<16xi32>], vector<16xf32>, vector<16xi1>
            %broadcast_in_dim3A_259 = arith.constant 4 : i32
            %broadcast_in_dim3A_260 = vector.broadcast %broadcast_in_dim3A_259 : i32 to vector<16xi32>
            tpu.vector_store_idx %arg6[%add3A_248, %broadcast_in_dim3A_260], %broadcast_in_dim3A_250 masked %eq3A_233 : memref<512x32xf32, #tpu.memory_space<vmem>>[vector<16xi32>, vector<16xi32>], vector<16xf32>, vector<16xi1>
            %broadcast_in_dim3A_261 = arith.constant 5 : i32
            %broadcast_in_dim3A_262 = vector.broadcast %broadcast_in_dim3A_261 : i32 to vector<16xi32>
            tpu.vector_store_idx %arg6[%add3A_248, %broadcast_in_dim3A_262], %broadcast_in_dim3A_250 masked %eq3A_233 : memref<512x32xf32, #tpu.memory_space<vmem>>[vector<16xi32>, vector<16xi32>], vector<16xf32>, vector<16xi1>
            %broadcast_in_dim3A_263 = arith.constant 6 : i32
            %broadcast_in_dim3A_264 = vector.broadcast %broadcast_in_dim3A_263 : i32 to vector<16xi32>
            tpu.vector_store_idx %arg6[%add3A_248, %broadcast_in_dim3A_264], %broadcast_in_dim3A_250 masked %eq3A_233 : memref<512x32xf32, #tpu.memory_space<vmem>>[vector<16xi32>, vector<16xi32>], vector<16xf32>, vector<16xi1>
            %broadcast_in_dim3A_265 = arith.constant 7 : i32
            %broadcast_in_dim3A_266 = vector.broadcast %broadcast_in_dim3A_265 : i32 to vector<16xi32>
            tpu.vector_store_idx %arg6[%add3A_248, %broadcast_in_dim3A_266], %broadcast_in_dim3A_250 masked %eq3A_233 : memref<512x32xf32, #tpu.memory_space<vmem>>[vector<16xi32>, vector<16xi32>], vector<16xf32>, vector<16xi1>
            %broadcast_in_dim3A_267 = arith.constant 8 : i32
            %broadcast_in_dim3A_268 = vector.broadcast %broadcast_in_dim3A_267 : i32 to vector<16xi32>
            tpu.vector_store_idx %arg6[%add3A_248, %broadcast_in_dim3A_268], %broadcast_in_dim3A_250 masked %eq3A_233 : memref<512x32xf32, #tpu.memory_space<vmem>>[vector<16xi32>, vector<16xi32>], vector<16xf32>, vector<16xi1>
            %broadcast_in_dim3A_269 = arith.constant 9 : i32
            %broadcast_in_dim3A_270 = vector.broadcast %broadcast_in_dim3A_269 : i32 to vector<16xi32>
            tpu.vector_store_idx %arg6[%add3A_248, %broadcast_in_dim3A_270], %broadcast_in_dim3A_250 masked %eq3A_233 : memref<512x32xf32, #tpu.memory_space<vmem>>[vector<16xi32>, vector<16xi32>], vector<16xf32>, vector<16xi1>
            %broadcast_in_dim3A_271 = arith.constant 10 : i32
            %broadcast_in_dim3A_272 = vector.broadcast %broadcast_in_dim3A_271 : i32 to vector<16xi32>
            tpu.vector_store_idx %arg6[%add3A_248, %broadcast_in_dim3A_272], %broadcast_in_dim3A_250 masked %eq3A_233 : memref<512x32xf32, #tpu.memory_space<vmem>>[vector<16xi32>, vector<16xi32>], vector<16xf32>, vector<16xi1>
            %broadcast_in_dim3A_273 = arith.constant 11 : i32
            %broadcast_in_dim3A_274 = vector.broadcast %broadcast_in_dim3A_273 : i32 to vector<16xi32>
            tpu.vector_store_idx %arg6[%add3A_248, %broadcast_in_dim3A_274], %broadcast_in_dim3A_250 masked %eq3A_233 : memref<512x32xf32, #tpu.memory_space<vmem>>[vector<16xi32>, vector<16xi32>], vector<16xf32>, vector<16xi1>
            %broadcast_in_dim3A_275 = arith.constant 12 : i32
            %broadcast_in_dim3A_276 = vector.broadcast %broadcast_in_dim3A_275 : i32 to vector<16xi32>
            tpu.vector_store_idx %arg6[%add3A_248, %broadcast_in_dim3A_276], %broadcast_in_dim3A_250 masked %eq3A_233 : memref<512x32xf32, #tpu.memory_space<vmem>>[vector<16xi32>, vector<16xi32>], vector<16xf32>, vector<16xi1>
            %broadcast_in_dim3A_277 = arith.constant 13 : i32
            %broadcast_in_dim3A_278 = vector.broadcast %broadcast_in_dim3A_277 : i32 to vector<16xi32>
            tpu.vector_store_idx %arg6[%add3A_248, %broadcast_in_dim3A_278], %broadcast_in_dim3A_250 masked %eq3A_233 : memref<512x32xf32, #tpu.memory_space<vmem>>[vector<16xi32>, vector<16xi32>], vector<16xf32>, vector<16xi1>
            %broadcast_in_dim3A_279 = arith.constant 14 : i32
            %broadcast_in_dim3A_280 = vector.broadcast %broadcast_in_dim3A_279 : i32 to vector<16xi32>
            tpu.vector_store_idx %arg6[%add3A_248, %broadcast_in_dim3A_280], %broadcast_in_dim3A_250 masked %eq3A_233 : memref<512x32xf32, #tpu.memory_space<vmem>>[vector<16xi32>, vector<16xi32>], vector<16xf32>, vector<16xi1>
            %broadcast_in_dim3A_281 = arith.constant 15 : i32
            %broadcast_in_dim3A_282 = vector.broadcast %broadcast_in_dim3A_281 : i32 to vector<16xi32>
            tpu.vector_store_idx %arg6[%add3A_248, %broadcast_in_dim3A_282], %broadcast_in_dim3A_250 masked %eq3A_233 : memref<512x32xf32, #tpu.memory_space<vmem>>[vector<16xi32>, vector<16xi32>], vector<16xf32>, vector<16xi1>
            %broadcast_in_dim3A_283 = arith.constant 16 : i32
            %broadcast_in_dim3A_284 = vector.broadcast %broadcast_in_dim3A_283 : i32 to vector<16xi32>
            tpu.vector_store_idx %arg6[%add3A_248, %broadcast_in_dim3A_284], %broadcast_in_dim3A_250 masked %eq3A_233 : memref<512x32xf32, #tpu.memory_space<vmem>>[vector<16xi32>, vector<16xi32>], vector<16xf32>, vector<16xi1>
            %broadcast_in_dim3A_285 = arith.constant 17 : i32
            %broadcast_in_dim3A_286 = vector.broadcast %broadcast_in_dim3A_285 : i32 to vector<16xi32>
            tpu.vector_store_idx %arg6[%add3A_248, %broadcast_in_dim3A_286], %broadcast_in_dim3A_250 masked %eq3A_233 : memref<512x32xf32, #tpu.memory_space<vmem>>[vector<16xi32>, vector<16xi32>], vector<16xf32>, vector<16xi1>
            %broadcast_in_dim3A_287 = arith.constant 18 : i32
            %broadcast_in_dim3A_288 = vector.broadcast %broadcast_in_dim3A_287 : i32 to vector<16xi32>
            tpu.vector_store_idx %arg6[%add3A_248, %broadcast_in_dim3A_288], %broadcast_in_dim3A_250 masked %eq3A_233 : memref<512x32xf32, #tpu.memory_space<vmem>>[vector<16xi32>, vector<16xi32>], vector<16xf32>, vector<16xi1>
            %broadcast_in_dim3A_289 = arith.constant 19 : i32
            %broadcast_in_dim3A_290 = vector.broadcast %broadcast_in_dim3A_289 : i32 to vector<16xi32>
            tpu.vector_store_idx %arg6[%add3A_248, %broadcast_in_dim3A_290], %broadcast_in_dim3A_250 masked %eq3A_233 : memref<512x32xf32, #tpu.memory_space<vmem>>[vector<16xi32>, vector<16xi32>], vector<16xf32>, vector<16xi1>
            %broadcast_in_dim3A_291 = arith.constant 20 : i32
            %broadcast_in_dim3A_292 = vector.broadcast %broadcast_in_dim3A_291 : i32 to vector<16xi32>
            tpu.vector_store_idx %arg6[%add3A_248, %broadcast_in_dim3A_292], %broadcast_in_dim3A_250 masked %eq3A_233 : memref<512x32xf32, #tpu.memory_space<vmem>>[vector<16xi32>, vector<16xi32>], vector<16xf32>, vector<16xi1>
            %broadcast_in_dim3A_293 = arith.constant 21 : i32
            %broadcast_in_dim3A_294 = vector.broadcast %broadcast_in_dim3A_293 : i32 to vector<16xi32>
            tpu.vector_store_idx %arg6[%add3A_248, %broadcast_in_dim3A_294], %broadcast_in_dim3A_250 masked %eq3A_233 : memref<512x32xf32, #tpu.memory_space<vmem>>[vector<16xi32>, vector<16xi32>], vector<16xf32>, vector<16xi1>
            %broadcast_in_dim3A_295 = arith.constant 22 : i32
            %broadcast_in_dim3A_296 = vector.broadcast %broadcast_in_dim3A_295 : i32 to vector<16xi32>
            tpu.vector_store_idx %arg6[%add3A_248, %broadcast_in_dim3A_296], %broadcast_in_dim3A_250 masked %eq3A_233 : memref<512x32xf32, #tpu.memory_space<vmem>>[vector<16xi32>, vector<16xi32>], vector<16xf32>, vector<16xi1>
            %broadcast_in_dim3A_297 = arith.constant 23 : i32
            %broadcast_in_dim3A_298 = vector.broadcast %broadcast_in_dim3A_297 : i32 to vector<16xi32>
            tpu.vector_store_idx %arg6[%add3A_248, %broadcast_in_dim3A_298], %broadcast_in_dim3A_250 masked %eq3A_233 : memref<512x32xf32, #tpu.memory_space<vmem>>[vector<16xi32>, vector<16xi32>], vector<16xf32>, vector<16xi1>
            %broadcast_in_dim3A_299 = arith.constant 24 : i32
            %broadcast_in_dim3A_300 = vector.broadcast %broadcast_in_dim3A_299 : i32 to vector<16xi32>
            tpu.vector_store_idx %arg6[%add3A_248, %broadcast_in_dim3A_300], %broadcast_in_dim3A_250 masked %eq3A_233 : memref<512x32xf32, #tpu.memory_space<vmem>>[vector<16xi32>, vector<16xi32>], vector<16xf32>, vector<16xi1>
            %broadcast_in_dim3A_301 = arith.constant 25 : i32
            %broadcast_in_dim3A_302 = vector.broadcast %broadcast_in_dim3A_301 : i32 to vector<16xi32>
            tpu.vector_store_idx %arg6[%add3A_248, %broadcast_in_dim3A_302], %broadcast_in_dim3A_250 masked %eq3A_233 : memref<512x32xf32, #tpu.memory_space<vmem>>[vector<16xi32>, vector<16xi32>], vector<16xf32>, vector<16xi1>
            %broadcast_in_dim3A_303 = arith.constant 26 : i32
            %broadcast_in_dim3A_304 = vector.broadcast %broadcast_in_dim3A_303 : i32 to vector<16xi32>
            tpu.vector_store_idx %arg6[%add3A_248, %broadcast_in_dim3A_304], %broadcast_in_dim3A_250 masked %eq3A_233 : memref<512x32xf32, #tpu.memory_space<vmem>>[vector<16xi32>, vector<16xi32>], vector<16xf32>, vector<16xi1>
            %broadcast_in_dim3A_305 = arith.constant 27 : i32
            %broadcast_in_dim3A_306 = vector.broadcast %broadcast_in_dim3A_305 : i32 to vector<16xi32>
            tpu.vector_store_idx %arg6[%add3A_248, %broadcast_in_dim3A_306], %broadcast_in_dim3A_250 masked %eq3A_233 : memref<512x32xf32, #tpu.memory_space<vmem>>[vector<16xi32>, vector<16xi32>], vector<16xf32>, vector<16xi1>
            %broadcast_in_dim3A_307 = arith.constant 28 : i32
            %broadcast_in_dim3A_308 = vector.broadcast %broadcast_in_dim3A_307 : i32 to vector<16xi32>
            tpu.vector_store_idx %arg6[%add3A_248, %broadcast_in_dim3A_308], %broadcast_in_dim3A_250 masked %eq3A_233 : memref<512x32xf32, #tpu.memory_space<vmem>>[vector<16xi32>, vector<16xi32>], vector<16xf32>, vector<16xi1>
            %broadcast_in_dim3A_309 = arith.constant 29 : i32
            %broadcast_in_dim3A_310 = vector.broadcast %broadcast_in_dim3A_309 : i32 to vector<16xi32>
            tpu.vector_store_idx %arg6[%add3A_248, %broadcast_in_dim3A_310], %broadcast_in_dim3A_250 masked %eq3A_233 : memref<512x32xf32, #tpu.memory_space<vmem>>[vector<16xi32>, vector<16xi32>], vector<16xf32>, vector<16xi1>
            %broadcast_in_dim3A_311 = arith.constant 30 : i32
            %broadcast_in_dim3A_312 = vector.broadcast %broadcast_in_dim3A_311 : i32 to vector<16xi32>
            tpu.vector_store_idx %arg6[%add3A_248, %broadcast_in_dim3A_312], %broadcast_in_dim3A_250 masked %eq3A_233 : memref<512x32xf32, #tpu.memory_space<vmem>>[vector<16xi32>, vector<16xi32>], vector<16xf32>, vector<16xi1>
            %broadcast_in_dim3A_313 = arith.constant 31 : i32
            %broadcast_in_dim3A_314 = vector.broadcast %broadcast_in_dim3A_313 : i32 to vector<16xi32>
            tpu.vector_store_idx %arg6[%add3A_248, %broadcast_in_dim3A_314], %broadcast_in_dim3A_250 masked %eq3A_233 : memref<512x32xf32, #tpu.memory_space<vmem>>[vector<16xi32>, vector<16xi32>], vector<16xf32>, vector<16xi1>
          } else {
          }
          %scan3A_244 = arith.constant 0 : i32
          scf.yield %scan3A_244 : i32
        }
        %scan3A_224 = arith.constant 32 : i32
      } else {
      }
      %ge3A = arith.constant 1 : i32
      %ge3A_108 = arith.cmpi sge, %scan3A_72, %ge3A : i32
      %convert_element_type3A_109 = arith.extui %ge3A_108 : i1 to i32
      %cond3A_110 = arith.constant 0 : i32
      %cond3A_111 = arith.cmpi ne, %convert_element_type3A_109, %cond3A_110 : i32
      scf.if %cond3A_111 {
        %dma_wait3A_218 = arith.constant 0 : i32
        %dma_wait3A_219 = arith.constant 0 : i32
        %dma_wait3A_220 = arith.constant 0 : i32
        %dma_wait3A_221 = arith.constant 0 : i32
        %dma_wait3A_222 = arith.constant 0 : i32
        %dma_wait3A_223 = tpu.memref_slice %arg8[%dma_wait3A_218, %dma_wait3A_219, %dma_wait3A_220, %dma_wait3A_221, %dma_wait3A_222] : memref<4x4x1x8x129xf32, #tpu.memory_space<vmem>> -> memref<4x4x1x8x128xf32, #tpu.memory_space<vmem>>
        %dma_wait3A_224 = arith.constant 0 : i32
        %dma_wait3A_225 = arith.constant 0 : i32
        %dma_wait3A_226 = arith.constant 0 : i32
        %dma_wait3A_227 = arith.constant 0 : i32
        %dma_wait3A_228 = arith.constant 0 : i32
        %dma_wait3A_229 = tpu.memref_slice %arg4[%dma_wait3A_224, %dma_wait3A_225, %dma_wait3A_226, %dma_wait3A_227, %dma_wait3A_228] : memref<200x4x32x8x128xf32, #tpu.memory_space<hbm>> -> memref<4x4x1x8x128xf32, #tpu.memory_space<hbm>>
        %dma_wait3A_230 = arith.constant 0 : i32
        %dma_wait3A_231 = arith.constant 0 : i32
        %dma_wait3A_232 = arith.constant 0 : i32
        %dma_wait3A_233 = arith.constant 0 : i32
        %dma_wait3A_234 = arith.constant 0 : i32
        %dma_wait3A_235 = tpu.memref_slice %arg8[%dma_wait3A_230, %dma_wait3A_231, %dma_wait3A_232, %dma_wait3A_233, %dma_wait3A_234] : memref<4x4x1x8x129xf32, #tpu.memory_space<vmem>> -> memref<4x4x1x8x128xf32, #tpu.memory_space<vmem>>
        %dma_wait3A_236 = arith.constant 0 : i32
        %dma_wait3A_237 = arith.constant 0 : i32
        %dma_wait3A_238 = arith.constant 0 : i32
        %dma_wait3A_239 = arith.constant 0 : i32
        %dma_wait3A_240 = arith.constant 0 : i32
        %dma_wait3A_241 = tpu.memref_slice %arg4[%dma_wait3A_236, %dma_wait3A_237, %dma_wait3A_238, %dma_wait3A_239, %dma_wait3A_240] : memref<200x4x32x8x128xf32, #tpu.memory_space<hbm>> -> memref<4x4x1x8x128xf32, #tpu.memory_space<hbm>>
        tpu.wait_dma2 semaphore(%arg12 : memref<!tpu.dma_semaphore, #tpu.memory_space<semaphore_mem>>) src(%dma_wait3A_241 : memref<4x4x1x8x128xf32, #tpu.memory_space<hbm>>) dst(%dma_wait3A_235 : memref<4x4x1x8x128xf32, #tpu.memory_space<vmem>>)
      } else {
      }
      %parallel_loop3A = arith.constant 0 : i32
      %parallel_loop3A_112 = arith.constant 512 : i32
      %parallel_loop3A_113 = arith.constant 1 : i32
      scf.for %parallel_loop3A_218 = %parallel_loop3A to %parallel_loop3A_112 step %parallel_loop3A_113  : i32 {
        %parallel_loop3A_219 = arith.constant 7 : i32
        %parallel_loop3A_220 = arith.shrui %parallel_loop3A_218, %parallel_loop3A_219 : i32
        %parallel_loop3A_221 = arith.constant 127 : i32
        %parallel_loop3A_222 = arith.andi %parallel_loop3A_218, %parallel_loop3A_221 : i32
        %parallel_loop3A_223 = arith.index_cast %parallel_loop3A_218 : i32 to index
        %parallel_loop3A_224 = arith.constant 0 : index
        %parallel_loop3A_225 = tpu.vector_load %arg6[%parallel_loop3A_223, %parallel_loop3A_224] {strides = array<i32>} : memref<512x32xf32, #tpu.memory_space<vmem>>, vector<16xf32>,
        %parallel_loop3A_226 = arith.index_cast %parallel_loop3A_218 : i32 to index
        %parallel_loop3A_227 = arith.constant 16 : index
        %parallel_loop3A_228 = tpu.vector_load %arg6[%parallel_loop3A_226, %parallel_loop3A_227] {strides = array<i32>} : memref<512x32xf32, #tpu.memory_space<vmem>>, vector<16xf32>,
        %parallel_loop3A_229 = vector.broadcast %parallel_loop3A_220 : i32 to vector<16xi32>
        %parallel_loop3A_230 = vector.broadcast %parallel_loop3A_222 : i32 to vector<16xi32>
        tpu.vector_store_idx %arg8[%parallel_loop3A_229, %shift_right_logical3A_6, %broadcast_in_dim3A_9, %and3A_8, %parallel_loop3A_230], %parallel_loop3A_225 : memref<4x4x1x8x129xf32, #tpu.memory_space<vmem>>[vector<16xi32>, vector<16xi32>, vector<16xi32>, vector<16xi32>, vector<16xi32>], vector<16xf32>,
        %parallel_loop3A_231 = arith.constant 2 : i32
        %parallel_loop3A_232 = vector.broadcast %parallel_loop3A_231 : i32 to vector<16xi32>
        %parallel_loop3A_233 = arith.addi %shift_right_logical3A_6, %parallel_loop3A_232 : vector<16xi32>
        tpu.vector_store_idx %arg8[%parallel_loop3A_229, %parallel_loop3A_233, %broadcast_in_dim3A_9, %and3A_8, %parallel_loop3A_230], %parallel_loop3A_228 : memref<4x4x1x8x129xf32, #tpu.memory_space<vmem>>[vector<16xi32>, vector<16xi32>, vector<16xi32>, vector<16xi32>, vector<16xi32>], vector<16xf32>,
      } {sc.loop_unroll_factor = 8 : i64, sc.parallel_access}
      %mul3A_114 = arith.constant 8 : i32
      %mul3A_115 = arith.muli %shift_right_logical3A_80, %mul3A_114 : i32
      %add3A_116 = arith.constant 0 : i32
      %add3A_117 = arith.addi %mul3A_115, %add3A_116 : i32
      %dma_start3A_118 = arith.constant 0 : i32
      %dma_start3A_119 = arith.constant 0 : i32
      %dma_start3A_120 = arith.constant 0 : i32
      %dma_start3A_121 = arith.constant 0 : i32
      %dma_start3A_122 = arith.constant 0 : i32
      %dma_start3A_123 = tpu.memref_slice %arg8[%dma_start3A_118, %dma_start3A_119, %dma_start3A_120, %dma_start3A_121, %dma_start3A_122] : memref<4x4x1x8x129xf32, #tpu.memory_space<vmem>> -> memref<4x4x1x8x128xf32, #tpu.memory_space<vmem>>
      %dma_start3A_124 = arith.constant 0 : i32
      %dma_start3A_125 = arith.constant 0 : i32
      %dma_start3A_126 = arith.constant 0 : i32
      %dma_start3A_127 = tpu.memref_slice %arg4[%add3A_117, %dma_start3A_124, %and3A_82, %dma_start3A_125, %dma_start3A_126] : memref<200x4x32x8x128xf32, #tpu.memory_space<hbm>> -> memref<4x4x1x8x128xf32, #tpu.memory_space<hbm>>
      %dma_start3A_128 = arith.constant 0 : i32
      %dma_start3A_129 = arith.constant 0 : i32
      %dma_start3A_130 = arith.constant 0 : i32
      %dma_start3A_131 = tpu.memref_slice %arg4[%add3A_117, %dma_start3A_128, %and3A_82, %dma_start3A_129, %dma_start3A_130] : memref<200x4x32x8x128xf32, #tpu.memory_space<hbm>> -> memref<4x4x1x8x128xf32, #tpu.memory_space<hbm>>
      %dma_start3A_132 = arith.constant 0 : i32
      %dma_start3A_133 = arith.constant 0 : i32
      %dma_start3A_134 = arith.constant 0 : i32
      %dma_start3A_135 = arith.constant 0 : i32
      %dma_start3A_136 = arith.constant 0 : i32
      %dma_start3A_137 = tpu.memref_slice %arg8[%dma_start3A_132, %dma_start3A_133, %dma_start3A_134, %dma_start3A_135, %dma_start3A_136] : memref<4x4x1x8x129xf32, #tpu.memory_space<vmem>> -> memref<4x4x1x8x128xf32, #tpu.memory_space<vmem>>
      tpu.enqueue_dma source(%dma_start3A_137 : memref<4x4x1x8x128xf32, #tpu.memory_space<vmem>>) target(%dma_start3A_131 : memref<4x4x1x8x128xf32, #tpu.memory_space<hbm>>) target_semaphore(%arg12 : memref<!tpu.dma_semaphore, #tpu.memory_space<semaphore_mem>>)
      %lt3A = arith.constant 24 : i32
      %lt3A_138 = arith.cmpi slt, %scan3A_72, %lt3A : i32
      %convert_element_type3A_139 = arith.extui %lt3A_138 : i1 to i32
      %cond3A_140 = arith.constant 0 : i32
      %cond3A_141 = arith.cmpi ne, %convert_element_type3A_139, %cond3A_140 : i32
      scf.if %cond3A_141 {
        %add3A_218 = arith.constant 2 : i32
        %add3A_219 = arith.addi %add3A_77, %add3A_218 : i32
        %mul3A_220 = arith.constant 512 : i32
        %mul3A_221 = arith.muli %add3A_219, %mul3A_220 : i32
        %dma_start3A_222 = tpu.memref_slice %arg5[%mul3A_221] : memref<25600xi32, #tpu.memory_space<vmem>> -> memref<512xi32, #tpu.memory_space<vmem>>
        %dma_start3A_223 = arith.constant 0 : i32
        %dma_start3A_224 = arith.constant 0 : i32
        %dma_start3A_225 = tpu.memref_slice %arg2[%dma_start3A_223, %dma_start3A_224] : memref<1000000x32xf32, #tpu.memory_space<hbm>> -> memref<1000000x32xf32, #tpu.memory_space<hbm>>
        tpu.enqueue_indirect_dma source(%dma_start3A_225 : memref<1000000x32xf32, #tpu.memory_space<hbm>>) target(%arg6 : memref<512x32xf32, #tpu.memory_space<vmem>>) offsets(%dma_start3A_222 : memref<512xi32, #tpu.memory_space<vmem>>) semaphore(%arg10 : memref<!tpu.dma_semaphore, #tpu.memory_space<semaphore_mem>>)
      } else {
      }
      %mul3A_142 = arith.constant 2 : i32
      %mul3A_143 = arith.muli %mul3A_142, %scan3A_72 : i32
      %add3A_144 = arith.constant 1 : i32
      %add3A_145 = arith.addi %mul3A_143, %add3A_144 : i32
      %add3A_146 = arith.addi %mul3A_4, %scan3A_72 : i32
      %shift_right_logical3A_147 = arith.constant 5 : i32
      %shift_right_logical3A_148 = arith.shrui %add3A_146, %shift_right_logical3A_147 : i32
      %and3A_149 = arith.constant 31 : i32
      %and3A_150 = arith.andi %add3A_146, %and3A_149 : i32
      %mul3A_151 = arith.constant 512 : i32
      %mul3A_152 = arith.muli %add3A_145, %mul3A_151 : i32
      %dma_wait3A_153 = arith.constant 0 : i32
      %dma_wait3A_154 = arith.constant 0 : i32
      %dma_wait3A_155 = tpu.memref_slice %arg2[%dma_wait3A_153, %dma_wait3A_154] : memref<1000000x32xf32, #tpu.memory_space<hbm>> -> memref<512x32xf32, #tpu.memory_space<hbm>>
      %dma_wait3A_156 = arith.constant 0 : i32
      %dma_wait3A_157 = arith.constant 0 : i32
      %dma_wait3A_158 = tpu.memref_slice %arg2[%dma_wait3A_156, %dma_wait3A_157] : memref<1000000x32xf32, #tpu.memory_space<hbm>> -> memref<512x32xf32, #tpu.memory_space<hbm>>
      tpu.wait_dma2 semaphore(%arg11 : memref<!tpu.dma_semaphore, #tpu.memory_space<semaphore_mem>>) src(%dma_wait3A_158 : memref<512x32xf32, #tpu.memory_space<hbm>>) dst(%arg7 : memref<512x32xf32, #tpu.memory_space<vmem>>)
      %broadcast_in_dim3A_159 = arith.constant 1 : i32
      %broadcast_in_dim3A_160 = vector.broadcast %broadcast_in_dim3A_159 : i32 to vector<16xi32>
      %scan3A_161 = arith.constant 0 : i32
      %scan3A_162 = arith.constant 32 : i32
      %scan3A_163 = arith.addi %scan3A_161, %scan3A_162 : i32
      %scan3A_164 = arith.constant 1 : i32
      %scan3A_165 = scf.for %scan3A_218 = %scan3A_161 to %scan3A_163 step %scan3A_164 iter_args(%scan3A_219 = %broadcast_in_dim3A_160) -> (vector<16xi32>)  : i32 {
        %mul3A_220 = arith.constant 16 : i32
        %mul3A_221 = arith.muli %scan3A_218, %mul3A_220 : i32
        %add3A_222 = arith.addi %mul3A_152, %mul3A_221 : i32
        %get3A = arith.index_cast %add3A_222 : i32 to index
        %get3A_223 = tpu.vector_load %arg5[%get3A] {strides = array<i32>} : memref<25600xi32, #tpu.memory_space<vmem>>, vector<16xi32>,
        %min3A = arith.minsi %scan3A_219, %get3A_223 : vector<16xi32>
        scf.yield %min3A : vector<16xi32>
      }
      %scan3A_166 = arith.constant 32 : i32
      %reduce_min3A_167 = arith.constant true
      %reduce_min3A_168 = vector.broadcast %reduce_min3A_167 : i1 to vector<16xi1>
      %reduce_min3A_169 = arith.constant -2147483648 : i32
      %reduce_min3A_170 = vector.broadcast %reduce_min3A_169 : i32 to vector<16xi32>
      %reduce_min3A_171 = arith.xori %scan3A_165, %reduce_min3A_170 : vector<16xi32>
      %reduce_min3A_172 = tpu.scan <min>, %reduce_min3A_171 masked %reduce_min3A_168 : vector<16xi32>, vector<16xi1> -> vector<16xi32>
      %reduce_min3A_173 = arith.xori %reduce_min3A_172, %reduce_min3A_170 : vector<16xi32>
      %reduce_min3A_174 = vector.extract %reduce_min3A_173[15] : i32 from vector<16xi32>
      %eq3A_175 = arith.constant 0 : i32
      %eq3A_176 = arith.cmpi eq, %reduce_min3A_174, %eq3A_175 : i32
      %convert_element_type3A_177 = arith.extui %eq3A_176 : i1 to i32
      %cond3A_178 = arith.constant 0 : i32
      %cond3A_179 = arith.cmpi ne, %convert_element_type3A_177, %cond3A_178 : i32
      scf.if %cond3A_179 {
        %scan3A_218 = arith.constant 0 : i32
        %scan3A_219 = arith.constant 0 : i32
        %scan3A_220 = arith.constant 32 : i32
        %scan3A_221 = arith.addi %scan3A_219, %scan3A_220 : i32
        %scan3A_222 = arith.constant 1 : i32
        %scan3A_223 = scf.for %scan3A_225 = %scan3A_219 to %scan3A_221 step %scan3A_222 iter_args(%scan3A_226 = %scan3A_218) -> (i32)  : i32 {
          %mul3A_227 = arith.constant 16 : i32
          %mul3A_228 = arith.muli %scan3A_225, %mul3A_227 : i32
          %add3A_229 = arith.addi %mul3A_152, %mul3A_228 : i32
          %get3A = arith.index_cast %add3A_229 : i32 to index
          %get3A_230 = tpu.vector_load %arg5[%get3A] {strides = array<i32>} : memref<25600xi32, #tpu.memory_space<vmem>>, vector<16xi32>,
          %eq3A_231 = arith.constant 0 : i32
          %eq3A_232 = vector.broadcast %eq3A_231 : i32 to vector<16xi32>
          %eq3A_233 = arith.cmpi eq, %get3A_230, %eq3A_232 : vector<16xi32>
          %jit3A = arith.constant 1 : i32
          %jit3A_234 = arith.constant 0 : i32
          %broadcast_in_dim3A_235 = vector.broadcast %jit3A : i32 to vector<16xi32>
          %broadcast_in_dim3A_236 = vector.broadcast %jit3A_234 : i32 to vector<16xi32>
          %select_n3A = arith.select %eq3A_233, %broadcast_in_dim3A_235, %broadcast_in_dim3A_236 : vector<16xi1>, vector<16xi32>
          %reduce_sum3A = arith.constant true
          %reduce_sum3A_237 = vector.broadcast %reduce_sum3A : i1 to vector<16xi1>
          %reduce_sum3A_238 = tpu.scan <sum>, %select_n3A masked %reduce_sum3A_237 : vector<16xi32>, vector<16xi1> -> vector<16xi32>
          %reduce_sum3A_239 = vector.extract %reduce_sum3A_238[15] : i32 from vector<16xi32>
          %gt3A = arith.constant 0 : i32
          %gt3A_240 = arith.cmpi sgt, %reduce_sum3A_239, %gt3A : i32
          %convert_element_type3A_241 = arith.extui %gt3A_240 : i1 to i32
          %cond3A_242 = arith.constant 0 : i32
          %cond3A_243 = arith.cmpi ne, %convert_element_type3A_241, %cond3A_242 : i32
          scf.if %cond3A_243 {
            %mul3A_245 = arith.constant 16 : i32
            %mul3A_246 = arith.muli %scan3A_225, %mul3A_245 : i32
            %add3A_247 = vector.broadcast %mul3A_246 : i32 to vector<16xi32>
            %add3A_248 = arith.addi %add3A_247, %iota3A : vector<16xi32>
            %broadcast_in_dim3A_249 = arith.constant 0.000000e+00 : f32
            %broadcast_in_dim3A_250 = vector.broadcast %broadcast_in_dim3A_249 : f32 to vector<16xf32>
            %broadcast_in_dim3A_251 = arith.constant 0 : i32
            %broadcast_in_dim3A_252 = vector.broadcast %broadcast_in_dim3A_251 : i32 to vector<16xi32>
            tpu.vector_store_idx %arg7[%add3A_248, %broadcast_in_dim3A_252], %broadcast_in_dim3A_250 masked %eq3A_233 : memref<512x32xf32, #tpu.memory_space<vmem>>[vector<16xi32>, vector<16xi32>], vector<16xf32>, vector<16xi1>
            %broadcast_in_dim3A_253 = arith.constant 1 : i32
            %broadcast_in_dim3A_254 = vector.broadcast %broadcast_in_dim3A_253 : i32 to vector<16xi32>
            tpu.vector_store_idx %arg7[%add3A_248, %broadcast_in_dim3A_254], %broadcast_in_dim3A_250 masked %eq3A_233 : memref<512x32xf32, #tpu.memory_space<vmem>>[vector<16xi32>, vector<16xi32>], vector<16xf32>, vector<16xi1>
            %broadcast_in_dim3A_255 = arith.constant 2 : i32
            %broadcast_in_dim3A_256 = vector.broadcast %broadcast_in_dim3A_255 : i32 to vector<16xi32>
            tpu.vector_store_idx %arg7[%add3A_248, %broadcast_in_dim3A_256], %broadcast_in_dim3A_250 masked %eq3A_233 : memref<512x32xf32, #tpu.memory_space<vmem>>[vector<16xi32>, vector<16xi32>], vector<16xf32>, vector<16xi1>
            %broadcast_in_dim3A_257 = arith.constant 3 : i32
            %broadcast_in_dim3A_258 = vector.broadcast %broadcast_in_dim3A_257 : i32 to vector<16xi32>
            tpu.vector_store_idx %arg7[%add3A_248, %broadcast_in_dim3A_258], %broadcast_in_dim3A_250 masked %eq3A_233 : memref<512x32xf32, #tpu.memory_space<vmem>>[vector<16xi32>, vector<16xi32>], vector<16xf32>, vector<16xi1>
            %broadcast_in_dim3A_259 = arith.constant 4 : i32
            %broadcast_in_dim3A_260 = vector.broadcast %broadcast_in_dim3A_259 : i32 to vector<16xi32>
            tpu.vector_store_idx %arg7[%add3A_248, %broadcast_in_dim3A_260], %broadcast_in_dim3A_250 masked %eq3A_233 : memref<512x32xf32, #tpu.memory_space<vmem>>[vector<16xi32>, vector<16xi32>], vector<16xf32>, vector<16xi1>
            %broadcast_in_dim3A_261 = arith.constant 5 : i32
            %broadcast_in_dim3A_262 = vector.broadcast %broadcast_in_dim3A_261 : i32 to vector<16xi32>
            tpu.vector_store_idx %arg7[%add3A_248, %broadcast_in_dim3A_262], %broadcast_in_dim3A_250 masked %eq3A_233 : memref<512x32xf32, #tpu.memory_space<vmem>>[vector<16xi32>, vector<16xi32>], vector<16xf32>, vector<16xi1>
            %broadcast_in_dim3A_263 = arith.constant 6 : i32
            %broadcast_in_dim3A_264 = vector.broadcast %broadcast_in_dim3A_263 : i32 to vector<16xi32>
            tpu.vector_store_idx %arg7[%add3A_248, %broadcast_in_dim3A_264], %broadcast_in_dim3A_250 masked %eq3A_233 : memref<512x32xf32, #tpu.memory_space<vmem>>[vector<16xi32>, vector<16xi32>], vector<16xf32>, vector<16xi1>
            %broadcast_in_dim3A_265 = arith.constant 7 : i32
            %broadcast_in_dim3A_266 = vector.broadcast %broadcast_in_dim3A_265 : i32 to vector<16xi32>
            tpu.vector_store_idx %arg7[%add3A_248, %broadcast_in_dim3A_266], %broadcast_in_dim3A_250 masked %eq3A_233 : memref<512x32xf32, #tpu.memory_space<vmem>>[vector<16xi32>, vector<16xi32>], vector<16xf32>, vector<16xi1>
            %broadcast_in_dim3A_267 = arith.constant 8 : i32
            %broadcast_in_dim3A_268 = vector.broadcast %broadcast_in_dim3A_267 : i32 to vector<16xi32>
            tpu.vector_store_idx %arg7[%add3A_248, %broadcast_in_dim3A_268], %broadcast_in_dim3A_250 masked %eq3A_233 : memref<512x32xf32, #tpu.memory_space<vmem>>[vector<16xi32>, vector<16xi32>], vector<16xf32>, vector<16xi1>
            %broadcast_in_dim3A_269 = arith.constant 9 : i32
            %broadcast_in_dim3A_270 = vector.broadcast %broadcast_in_dim3A_269 : i32 to vector<16xi32>
            tpu.vector_store_idx %arg7[%add3A_248, %broadcast_in_dim3A_270], %broadcast_in_dim3A_250 masked %eq3A_233 : memref<512x32xf32, #tpu.memory_space<vmem>>[vector<16xi32>, vector<16xi32>], vector<16xf32>, vector<16xi1>
            %broadcast_in_dim3A_271 = arith.constant 10 : i32
            %broadcast_in_dim3A_272 = vector.broadcast %broadcast_in_dim3A_271 : i32 to vector<16xi32>
            tpu.vector_store_idx %arg7[%add3A_248, %broadcast_in_dim3A_272], %broadcast_in_dim3A_250 masked %eq3A_233 : memref<512x32xf32, #tpu.memory_space<vmem>>[vector<16xi32>, vector<16xi32>], vector<16xf32>, vector<16xi1>
            %broadcast_in_dim3A_273 = arith.constant 11 : i32
            %broadcast_in_dim3A_274 = vector.broadcast %broadcast_in_dim3A_273 : i32 to vector<16xi32>
            tpu.vector_store_idx %arg7[%add3A_248, %broadcast_in_dim3A_274], %broadcast_in_dim3A_250 masked %eq3A_233 : memref<512x32xf32, #tpu.memory_space<vmem>>[vector<16xi32>, vector<16xi32>], vector<16xf32>, vector<16xi1>
            %broadcast_in_dim3A_275 = arith.constant 12 : i32
            %broadcast_in_dim3A_276 = vector.broadcast %broadcast_in_dim3A_275 : i32 to vector<16xi32>
            tpu.vector_store_idx %arg7[%add3A_248, %broadcast_in_dim3A_276], %broadcast_in_dim3A_250 masked %eq3A_233 : memref<512x32xf32, #tpu.memory_space<vmem>>[vector<16xi32>, vector<16xi32>], vector<16xf32>, vector<16xi1>
            %broadcast_in_dim3A_277 = arith.constant 13 : i32
            %broadcast_in_dim3A_278 = vector.broadcast %broadcast_in_dim3A_277 : i32 to vector<16xi32>
            tpu.vector_store_idx %arg7[%add3A_248, %broadcast_in_dim3A_278], %broadcast_in_dim3A_250 masked %eq3A_233 : memref<512x32xf32, #tpu.memory_space<vmem>>[vector<16xi32>, vector<16xi32>], vector<16xf32>, vector<16xi1>
            %broadcast_in_dim3A_279 = arith.constant 14 : i32
            %broadcast_in_dim3A_280 = vector.broadcast %broadcast_in_dim3A_279 : i32 to vector<16xi32>
            tpu.vector_store_idx %arg7[%add3A_248, %broadcast_in_dim3A_280], %broadcast_in_dim3A_250 masked %eq3A_233 : memref<512x32xf32, #tpu.memory_space<vmem>>[vector<16xi32>, vector<16xi32>], vector<16xf32>, vector<16xi1>
            %broadcast_in_dim3A_281 = arith.constant 15 : i32
            %broadcast_in_dim3A_282 = vector.broadcast %broadcast_in_dim3A_281 : i32 to vector<16xi32>
            tpu.vector_store_idx %arg7[%add3A_248, %broadcast_in_dim3A_282], %broadcast_in_dim3A_250 masked %eq3A_233 : memref<512x32xf32, #tpu.memory_space<vmem>>[vector<16xi32>, vector<16xi32>], vector<16xf32>, vector<16xi1>
            %broadcast_in_dim3A_283 = arith.constant 16 : i32
            %broadcast_in_dim3A_284 = vector.broadcast %broadcast_in_dim3A_283 : i32 to vector<16xi32>
            tpu.vector_store_idx %arg7[%add3A_248, %broadcast_in_dim3A_284], %broadcast_in_dim3A_250 masked %eq3A_233 : memref<512x32xf32, #tpu.memory_space<vmem>>[vector<16xi32>, vector<16xi32>], vector<16xf32>, vector<16xi1>
            %broadcast_in_dim3A_285 = arith.constant 17 : i32
            %broadcast_in_dim3A_286 = vector.broadcast %broadcast_in_dim3A_285 : i32 to vector<16xi32>
            tpu.vector_store_idx %arg7[%add3A_248, %broadcast_in_dim3A_286], %broadcast_in_dim3A_250 masked %eq3A_233 : memref<512x32xf32, #tpu.memory_space<vmem>>[vector<16xi32>, vector<16xi32>], vector<16xf32>, vector<16xi1>
            %broadcast_in_dim3A_287 = arith.constant 18 : i32
            %broadcast_in_dim3A_288 = vector.broadcast %broadcast_in_dim3A_287 : i32 to vector<16xi32>
            tpu.vector_store_idx %arg7[%add3A_248, %broadcast_in_dim3A_288], %broadcast_in_dim3A_250 masked %eq3A_233 : memref<512x32xf32, #tpu.memory_space<vmem>>[vector<16xi32>, vector<16xi32>], vector<16xf32>, vector<16xi1>
            %broadcast_in_dim3A_289 = arith.constant 19 : i32
            %broadcast_in_dim3A_290 = vector.broadcast %broadcast_in_dim3A_289 : i32 to vector<16xi32>
            tpu.vector_store_idx %arg7[%add3A_248, %broadcast_in_dim3A_290], %broadcast_in_dim3A_250 masked %eq3A_233 : memref<512x32xf32, #tpu.memory_space<vmem>>[vector<16xi32>, vector<16xi32>], vector<16xf32>, vector<16xi1>
            %broadcast_in_dim3A_291 = arith.constant 20 : i32
            %broadcast_in_dim3A_292 = vector.broadcast %broadcast_in_dim3A_291 : i32 to vector<16xi32>
            tpu.vector_store_idx %arg7[%add3A_248, %broadcast_in_dim3A_292], %broadcast_in_dim3A_250 masked %eq3A_233 : memref<512x32xf32, #tpu.memory_space<vmem>>[vector<16xi32>, vector<16xi32>], vector<16xf32>, vector<16xi1>
            %broadcast_in_dim3A_293 = arith.constant 21 : i32
            %broadcast_in_dim3A_294 = vector.broadcast %broadcast_in_dim3A_293 : i32 to vector<16xi32>
            tpu.vector_store_idx %arg7[%add3A_248, %broadcast_in_dim3A_294], %broadcast_in_dim3A_250 masked %eq3A_233 : memref<512x32xf32, #tpu.memory_space<vmem>>[vector<16xi32>, vector<16xi32>], vector<16xf32>, vector<16xi1>
            %broadcast_in_dim3A_295 = arith.constant 22 : i32
            %broadcast_in_dim3A_296 = vector.broadcast %broadcast_in_dim3A_295 : i32 to vector<16xi32>
            tpu.vector_store_idx %arg7[%add3A_248, %broadcast_in_dim3A_296], %broadcast_in_dim3A_250 masked %eq3A_233 : memref<512x32xf32, #tpu.memory_space<vmem>>[vector<16xi32>, vector<16xi32>], vector<16xf32>, vector<16xi1>
            %broadcast_in_dim3A_297 = arith.constant 23 : i32
            %broadcast_in_dim3A_298 = vector.broadcast %broadcast_in_dim3A_297 : i32 to vector<16xi32>
            tpu.vector_store_idx %arg7[%add3A_248, %broadcast_in_dim3A_298], %broadcast_in_dim3A_250 masked %eq3A_233 : memref<512x32xf32, #tpu.memory_space<vmem>>[vector<16xi32>, vector<16xi32>], vector<16xf32>, vector<16xi1>
            %broadcast_in_dim3A_299 = arith.constant 24 : i32
            %broadcast_in_dim3A_300 = vector.broadcast %broadcast_in_dim3A_299 : i32 to vector<16xi32>
            tpu.vector_store_idx %arg7[%add3A_248, %broadcast_in_dim3A_300], %broadcast_in_dim3A_250 masked %eq3A_233 : memref<512x32xf32, #tpu.memory_space<vmem>>[vector<16xi32>, vector<16xi32>], vector<16xf32>, vector<16xi1>
            %broadcast_in_dim3A_301 = arith.constant 25 : i32
            %broadcast_in_dim3A_302 = vector.broadcast %broadcast_in_dim3A_301 : i32 to vector<16xi32>
            tpu.vector_store_idx %arg7[%add3A_248, %broadcast_in_dim3A_302], %broadcast_in_dim3A_250 masked %eq3A_233 : memref<512x32xf32, #tpu.memory_space<vmem>>[vector<16xi32>, vector<16xi32>], vector<16xf32>, vector<16xi1>
            %broadcast_in_dim3A_303 = arith.constant 26 : i32
            %broadcast_in_dim3A_304 = vector.broadcast %broadcast_in_dim3A_303 : i32 to vector<16xi32>
            tpu.vector_store_idx %arg7[%add3A_248, %broadcast_in_dim3A_304], %broadcast_in_dim3A_250 masked %eq3A_233 : memref<512x32xf32, #tpu.memory_space<vmem>>[vector<16xi32>, vector<16xi32>], vector<16xf32>, vector<16xi1>
            %broadcast_in_dim3A_305 = arith.constant 27 : i32
            %broadcast_in_dim3A_306 = vector.broadcast %broadcast_in_dim3A_305 : i32 to vector<16xi32>
            tpu.vector_store_idx %arg7[%add3A_248, %broadcast_in_dim3A_306], %broadcast_in_dim3A_250 masked %eq3A_233 : memref<512x32xf32, #tpu.memory_space<vmem>>[vector<16xi32>, vector<16xi32>], vector<16xf32>, vector<16xi1>
            %broadcast_in_dim3A_307 = arith.constant 28 : i32
            %broadcast_in_dim3A_308 = vector.broadcast %broadcast_in_dim3A_307 : i32 to vector<16xi32>
            tpu.vector_store_idx %arg7[%add3A_248, %broadcast_in_dim3A_308], %broadcast_in_dim3A_250 masked %eq3A_233 : memref<512x32xf32, #tpu.memory_space<vmem>>[vector<16xi32>, vector<16xi32>], vector<16xf32>, vector<16xi1>
            %broadcast_in_dim3A_309 = arith.constant 29 : i32
            %broadcast_in_dim3A_310 = vector.broadcast %broadcast_in_dim3A_309 : i32 to vector<16xi32>
            tpu.vector_store_idx %arg7[%add3A_248, %broadcast_in_dim3A_310], %broadcast_in_dim3A_250 masked %eq3A_233 : memref<512x32xf32, #tpu.memory_space<vmem>>[vector<16xi32>, vector<16xi32>], vector<16xf32>, vector<16xi1>
            %broadcast_in_dim3A_311 = arith.constant 30 : i32
            %broadcast_in_dim3A_312 = vector.broadcast %broadcast_in_dim3A_311 : i32 to vector<16xi32>
            tpu.vector_store_idx %arg7[%add3A_248, %broadcast_in_dim3A_312], %broadcast_in_dim3A_250 masked %eq3A_233 : memref<512x32xf32, #tpu.memory_space<vmem>>[vector<16xi32>, vector<16xi32>], vector<16xf32>, vector<16xi1>
            %broadcast_in_dim3A_313 = arith.constant 31 : i32
            %broadcast_in_dim3A_314 = vector.broadcast %broadcast_in_dim3A_313 : i32 to vector<16xi32>
            tpu.vector_store_idx %arg7[%add3A_248, %broadcast_in_dim3A_314], %broadcast_in_dim3A_250 masked %eq3A_233 : memref<512x32xf32, #tpu.memory_space<vmem>>[vector<16xi32>, vector<16xi32>], vector<16xf32>, vector<16xi1>
          } else {
          }
          %scan3A_244 = arith.constant 0 : i32
          scf.yield %scan3A_244 : i32
        }
        %scan3A_224 = arith.constant 32 : i32
      } else {
      }
      %ge3A_180 = arith.constant 1 : i32
      %ge3A_181 = arith.cmpi sge, %scan3A_72, %ge3A_180 : i32
      %convert_element_type3A_182 = arith.extui %ge3A_181 : i1 to i32
      %cond3A_183 = arith.constant 0 : i32
      %cond3A_184 = arith.cmpi ne, %convert_element_type3A_182, %cond3A_183 : i32
      scf.if %cond3A_184 {
        %dma_wait3A_218 = arith.constant 0 : i32
        %dma_wait3A_219 = arith.constant 0 : i32
        %dma_wait3A_220 = arith.constant 0 : i32
        %dma_wait3A_221 = arith.constant 0 : i32
        %dma_wait3A_222 = arith.constant 0 : i32
        %dma_wait3A_223 = tpu.memref_slice %arg9[%dma_wait3A_218, %dma_wait3A_219, %dma_wait3A_220, %dma_wait3A_221, %dma_wait3A_222] : memref<4x4x1x8x129xf32, #tpu.memory_space<vmem>> -> memref<4x4x1x8x128xf32, #tpu.memory_space<vmem>>
        %dma_wait3A_224 = arith.constant 0 : i32
        %dma_wait3A_225 = arith.constant 0 : i32
        %dma_wait3A_226 = arith.constant 0 : i32
        %dma_wait3A_227 = arith.constant 0 : i32
        %dma_wait3A_228 = arith.constant 0 : i32
        %dma_wait3A_229 = tpu.memref_slice %arg4[%dma_wait3A_224, %dma_wait3A_225, %dma_wait3A_226, %dma_wait3A_227, %dma_wait3A_228] : memref<200x4x32x8x128xf32, #tpu.memory_space<hbm>> -> memref<4x4x1x8x128xf32, #tpu.memory_space<hbm>>
        %dma_wait3A_230 = arith.constant 0 : i32
        %dma_wait3A_231 = arith.constant 0 : i32
        %dma_wait3A_232 = arith.constant 0 : i32
        %dma_wait3A_233 = arith.constant 0 : i32
        %dma_wait3A_234 = arith.constant 0 : i32
        %dma_wait3A_235 = tpu.memref_slice %arg9[%dma_wait3A_230, %dma_wait3A_231, %dma_wait3A_232, %dma_wait3A_233, %dma_wait3A_234] : memref<4x4x1x8x129xf32, #tpu.memory_space<vmem>> -> memref<4x4x1x8x128xf32, #tpu.memory_space<vmem>>
        %dma_wait3A_236 = arith.constant 0 : i32
        %dma_wait3A_237 = arith.constant 0 : i32
        %dma_wait3A_238 = arith.constant 0 : i32
        %dma_wait3A_239 = arith.constant 0 : i32
        %dma_wait3A_240 = arith.constant 0 : i32
        %dma_wait3A_241 = tpu.memref_slice %arg4[%dma_wait3A_236, %dma_wait3A_237, %dma_wait3A_238, %dma_wait3A_239, %dma_wait3A_240] : memref<200x4x32x8x128xf32, #tpu.memory_space<hbm>> -> memref<4x4x1x8x128xf32, #tpu.memory_space<hbm>>
        tpu.wait_dma2 semaphore(%arg13 : memref<!tpu.dma_semaphore, #tpu.memory_space<semaphore_mem>>) src(%dma_wait3A_241 : memref<4x4x1x8x128xf32, #tpu.memory_space<hbm>>) dst(%dma_wait3A_235 : memref<4x4x1x8x128xf32, #tpu.memory_space<vmem>>)
      } else {
      }
      %parallel_loop3A_185 = arith.constant 0 : i32
      %parallel_loop3A_186 = arith.constant 512 : i32
      %parallel_loop3A_187 = arith.constant 1 : i32
      scf.for %parallel_loop3A_218 = %parallel_loop3A_185 to %parallel_loop3A_186 step %parallel_loop3A_187  : i32 {
        %parallel_loop3A_219 = arith.constant 7 : i32
        %parallel_loop3A_220 = arith.shrui %parallel_loop3A_218, %parallel_loop3A_219 : i32
        %parallel_loop3A_221 = arith.constant 127 : i32
        %parallel_loop3A_222 = arith.andi %parallel_loop3A_218, %parallel_loop3A_221 : i32
        %parallel_loop3A_223 = arith.index_cast %parallel_loop3A_218 : i32 to index
        %parallel_loop3A_224 = arith.constant 0 : index
        %parallel_loop3A_225 = tpu.vector_load %arg7[%parallel_loop3A_223, %parallel_loop3A_224] {strides = array<i32>} : memref<512x32xf32, #tpu.memory_space<vmem>>, vector<16xf32>,
        %parallel_loop3A_226 = arith.index_cast %parallel_loop3A_218 : i32 to index
        %parallel_loop3A_227 = arith.constant 16 : index
        %parallel_loop3A_228 = tpu.vector_load %arg7[%parallel_loop3A_226, %parallel_loop3A_227] {strides = array<i32>} : memref<512x32xf32, #tpu.memory_space<vmem>>, vector<16xf32>,
        %parallel_loop3A_229 = vector.broadcast %parallel_loop3A_220 : i32 to vector<16xi32>
        %parallel_loop3A_230 = vector.broadcast %parallel_loop3A_222 : i32 to vector<16xi32>
        tpu.vector_store_idx %arg9[%parallel_loop3A_229, %shift_right_logical3A_6, %broadcast_in_dim3A_9, %and3A_8, %parallel_loop3A_230], %parallel_loop3A_225 : memref<4x4x1x8x129xf32, #tpu.memory_space<vmem>>[vector<16xi32>, vector<16xi32>, vector<16xi32>, vector<16xi32>, vector<16xi32>], vector<16xf32>,
        %parallel_loop3A_231 = arith.constant 2 : i32
        %parallel_loop3A_232 = vector.broadcast %parallel_loop3A_231 : i32 to vector<16xi32>
        %parallel_loop3A_233 = arith.addi %shift_right_logical3A_6, %parallel_loop3A_232 : vector<16xi32>
        tpu.vector_store_idx %arg9[%parallel_loop3A_229, %parallel_loop3A_233, %broadcast_in_dim3A_9, %and3A_8, %parallel_loop3A_230], %parallel_loop3A_228 : memref<4x4x1x8x129xf32, #tpu.memory_space<vmem>>[vector<16xi32>, vector<16xi32>, vector<16xi32>, vector<16xi32>, vector<16xi32>], vector<16xf32>,
      } {sc.loop_unroll_factor = 8 : i64, sc.parallel_access}
      %mul3A_188 = arith.constant 8 : i32
      %mul3A_189 = arith.muli %shift_right_logical3A_148, %mul3A_188 : i32
      %add3A_190 = arith.constant 4 : i32
      %add3A_191 = arith.addi %mul3A_189, %add3A_190 : i32
      %dma_start3A_192 = arith.constant 0 : i32
      %dma_start3A_193 = arith.constant 0 : i32
      %dma_start3A_194 = arith.constant 0 : i32
      %dma_start3A_195 = arith.constant 0 : i32
      %dma_start3A_196 = arith.constant 0 : i32
      %dma_start3A_197 = tpu.memref_slice %arg9[%dma_start3A_192, %dma_start3A_193, %dma_start3A_194, %dma_start3A_195, %dma_start3A_196] : memref<4x4x1x8x129xf32, #tpu.memory_space<vmem>> -> memref<4x4x1x8x128xf32, #tpu.memory_space<vmem>>
      %dma_start3A_198 = arith.constant 0 : i32
      %dma_start3A_199 = arith.constant 0 : i32
      %dma_start3A_200 = arith.constant 0 : i32
      %dma_start3A_201 = tpu.memref_slice %arg4[%add3A_191, %dma_start3A_198, %and3A_150, %dma_start3A_199, %dma_start3A_200] : memref<200x4x32x8x128xf32, #tpu.memory_space<hbm>> -> memref<4x4x1x8x128xf32, #tpu.memory_space<hbm>>
      %dma_start3A_202 = arith.constant 0 : i32
      %dma_start3A_203 = arith.constant 0 : i32
      %dma_start3A_204 = arith.constant 0 : i32
      %dma_start3A_205 = tpu.memref_slice %arg4[%add3A_191, %dma_start3A_202, %and3A_150, %dma_start3A_203, %dma_start3A_204] : memref<200x4x32x8x128xf32, #tpu.memory_space<hbm>> -> memref<4x4x1x8x128xf32, #tpu.memory_space<hbm>>
      %dma_start3A_206 = arith.constant 0 : i32
      %dma_start3A_207 = arith.constant 0 : i32
      %dma_start3A_208 = arith.constant 0 : i32
      %dma_start3A_209 = arith.constant 0 : i32
      %dma_start3A_210 = arith.constant 0 : i32
      %dma_start3A_211 = tpu.memref_slice %arg9[%dma_start3A_206, %dma_start3A_207, %dma_start3A_208, %dma_start3A_209, %dma_start3A_210] : memref<4x4x1x8x129xf32, #tpu.memory_space<vmem>> -> memref<4x4x1x8x128xf32, #tpu.memory_space<vmem>>
      tpu.enqueue_dma source(%dma_start3A_211 : memref<4x4x1x8x128xf32, #tpu.memory_space<vmem>>) target(%dma_start3A_205 : memref<4x4x1x8x128xf32, #tpu.memory_space<hbm>>) target_semaphore(%arg13 : memref<!tpu.dma_semaphore, #tpu.memory_space<semaphore_mem>>)
      %lt3A_212 = arith.constant 24 : i32
      %lt3A_213 = arith.cmpi slt, %scan3A_72, %lt3A_212 : i32
      %convert_element_type3A_214 = arith.extui %lt3A_213 : i1 to i32
      %cond3A_215 = arith.constant 0 : i32
      %cond3A_216 = arith.cmpi ne, %convert_element_type3A_214, %cond3A_215 : i32
      scf.if %cond3A_216 {
        %add3A_218 = arith.constant 2 : i32
        %add3A_219 = arith.addi %add3A_145, %add3A_218 : i32
        %mul3A_220 = arith.constant 512 : i32
        %mul3A_221 = arith.muli %add3A_219, %mul3A_220 : i32
        %dma_start3A_222 = tpu.memref_slice %arg5[%mul3A_221] : memref<25600xi32, #tpu.memory_space<vmem>> -> memref<512xi32, #tpu.memory_space<vmem>>
        %dma_start3A_223 = arith.constant 0 : i32
        %dma_start3A_224 = arith.constant 0 : i32
        %dma_start3A_225 = tpu.memref_slice %arg2[%dma_start3A_223, %dma_start3A_224] : memref<1000000x32xf32, #tpu.memory_space<hbm>> -> memref<1000000x32xf32, #tpu.memory_space<hbm>>
        tpu.enqueue_indirect_dma source(%dma_start3A_225 : memref<1000000x32xf32, #tpu.memory_space<hbm>>) target(%arg7 : memref<512x32xf32, #tpu.memory_space<vmem>>) offsets(%dma_start3A_222 : memref<512xi32, #tpu.memory_space<vmem>>) semaphore(%arg11 : memref<!tpu.dma_semaphore, #tpu.memory_space<semaphore_mem>>)
      } else {
      }
      %scan3A_217 = arith.constant 0 : i32
      scf.yield %scan3A_217 : i32
    }
    %scan3A_24 = arith.constant 25 : i32
    %dma_wait3A = arith.constant 0 : i32
    %dma_wait3A_25 = arith.constant 0 : i32
    %dma_wait3A_26 = arith.constant 0 : i32
    %dma_wait3A_27 = arith.constant 0 : i32
    %dma_wait3A_28 = arith.constant 0 : i32
    %dma_wait3A_29 = tpu.memref_slice %arg8[%dma_wait3A, %dma_wait3A_25, %dma_wait3A_26, %dma_wait3A_27, %dma_wait3A_28] : memref<4x4x1x8x129xf32, #tpu.memory_space<vmem>> -> memref<4x4x1x8x128xf32, #tpu.memory_space<vmem>>
    %dma_wait3A_30 = arith.constant 0 : i32
    %dma_wait3A_31 = arith.constant 0 : i32
    %dma_wait3A_32 = arith.constant 0 : i32
    %dma_wait3A_33 = arith.constant 0 : i32
    %dma_wait3A_34 = arith.constant 0 : i32
    %dma_wait3A_35 = tpu.memref_slice %arg4[%dma_wait3A_30, %dma_wait3A_31, %dma_wait3A_32, %dma_wait3A_33, %dma_wait3A_34] : memref<200x4x32x8x128xf32, #tpu.memory_space<hbm>> -> memref<4x4x1x8x128xf32, #tpu.memory_space<hbm>>
    %dma_wait3A_36 = arith.constant 0 : i32
    %dma_wait3A_37 = arith.constant 0 : i32
    %dma_wait3A_38 = arith.constant 0 : i32
    %dma_wait3A_39 = arith.constant 0 : i32
    %dma_wait3A_40 = arith.constant 0 : i32
    %dma_wait3A_41 = tpu.memref_slice %arg8[%dma_wait3A_36, %dma_wait3A_37, %dma_wait3A_38, %dma_wait3A_39, %dma_wait3A_40] : memref<4x4x1x8x129xf32, #tpu.memory_space<vmem>> -> memref<4x4x1x8x128xf32, #tpu.memory_space<vmem>>
    %dma_wait3A_42 = arith.constant 0 : i32
    %dma_wait3A_43 = arith.constant 0 : i32
    %dma_wait3A_44 = arith.constant 0 : i32
    %dma_wait3A_45 = arith.constant 0 : i32
    %dma_wait3A_46 = arith.constant 0 : i32
    %dma_wait3A_47 = tpu.memref_slice %arg4[%dma_wait3A_42, %dma_wait3A_43, %dma_wait3A_44, %dma_wait3A_45, %dma_wait3A_46] : memref<200x4x32x8x128xf32, #tpu.memory_space<hbm>> -> memref<4x4x1x8x128xf32, #tpu.memory_space<hbm>>
    tpu.wait_dma2 semaphore(%arg12 : memref<!tpu.dma_semaphore, #tpu.memory_space<semaphore_mem>>) src(%dma_wait3A_47 : memref<4x4x1x8x128xf32, #tpu.memory_space<hbm>>) dst(%dma_wait3A_41 : memref<4x4x1x8x128xf32, #tpu.memory_space<vmem>>)
    %dma_wait3A_48 = arith.constant 0 : i32
    %dma_wait3A_49 = arith.constant 0 : i32
    %dma_wait3A_50 = arith.constant 0 : i32
    %dma_wait3A_51 = arith.constant 0 : i32
    %dma_wait3A_52 = arith.constant 0 : i32
    %dma_wait3A_53 = tpu.memref_slice %arg9[%dma_wait3A_48, %dma_wait3A_49, %dma_wait3A_50, %dma_wait3A_51, %dma_wait3A_52] : memref<4x4x1x8x129xf32, #tpu.memory_space<vmem>> -> memref<4x4x1x8x128xf32, #tpu.memory_space<vmem>>
    %dma_wait3A_54 = arith.constant 0 : i32
    %dma_wait3A_55 = arith.constant 0 : i32
    %dma_wait3A_56 = arith.constant 0 : i32
    %dma_wait3A_57 = arith.constant 0 : i32
    %dma_wait3A_58 = arith.constant 0 : i32
    %dma_wait3A_59 = tpu.memref_slice %arg4[%dma_wait3A_54, %dma_wait3A_55, %dma_wait3A_56, %dma_wait3A_57, %dma_wait3A_58] : memref<200x4x32x8x128xf32, #tpu.memory_space<hbm>> -> memref<4x4x1x8x128xf32, #tpu.memory_space<hbm>>
    %dma_wait3A_60 = arith.constant 0 : i32
    %dma_wait3A_61 = arith.constant 0 : i32
    %dma_wait3A_62 = arith.constant 0 : i32
    %dma_wait3A_63 = arith.constant 0 : i32
    %dma_wait3A_64 = arith.constant 0 : i32
    %dma_wait3A_65 = tpu.memref_slice %arg9[%dma_wait3A_60, %dma_wait3A_61, %dma_wait3A_62, %dma_wait3A_63, %dma_wait3A_64] : memref<4x4x1x8x129xf32, #tpu.memory_space<vmem>> -> memref<4x4x1x8x128xf32, #tpu.memory_space<vmem>>
    %dma_wait3A_66 = arith.constant 0 : i32
    %dma_wait3A_67 = arith.constant 0 : i32
    %dma_wait3A_68 = arith.constant 0 : i32
    %dma_wait3A_69 = arith.constant 0 : i32
    %dma_wait3A_70 = arith.constant 0 : i32
    %dma_wait3A_71 = tpu.memref_slice %arg4[%dma_wait3A_66, %dma_wait3A_67, %dma_wait3A_68, %dma_wait3A_69, %dma_wait3A_70] : memref<200x4x32x8x128xf32, #tpu.memory_space<hbm>> -> memref<4x4x1x8x128xf32, #tpu.memory_space<hbm>>
    tpu.wait_dma2 semaphore(%arg13 : memref<!tpu.dma_semaphore, #tpu.memory_space<semaphore_mem>>) src(%dma_wait3A_71 : memref<4x4x1x8x128xf32, #tpu.memory_space<hbm>>) dst(%dma_wait3A_65 : memref<4x4x1x8x128xf32, #tpu.memory_space<vmem>>)
    return
  }
}

</mosaic_0001>

<sc_bundles>
// kernel: kernel.3.cloned.1.call-start
scs
__scs_entry_jumppad:
0x0: {  	(pc) =	sbr.rel $0x88, $3  }
0x1: {  	(tag) =	ssettag $0x0;
	lr =	simm.s32 $0x1  }
0x2: {  	[smem:$0x3F9F] =	sst lr;
	_ =	strace $0xD0000000  }
0x3: {  	_ = 	snop  }
0x4: {  	_ = 	snop  }
0x5: {  	_ = 	snop  }
0x6: {  	_ = 	snop  }
0x7: {  	_ = 	snop  }
__scs_overlays_trampoline_lowered:
0x8: {  	[smem:$0x3FAE] =	sst s0  }
0x9: {  	[smem:$0x3FAF] =	sst s1  }
0xa: {  	[smem:$0x3FB0] =	sst s2  }
0xb: {  	[smem:$0x3FB1] =	sst s3  }
0xc: {  	[smem:$0x3FB2] =	sst s4  }
0xd: {  	[smem:$0x3FB3] =	sst s5  }
0xe: {  	[smem:$0x3FB4] =	sst s6  }
0xf: {  	[smem:$0x3FB5] =	sst s7  }
0x10: {  	[smem:$0x3FB6] =	sst s8  }
0x11: {  	[smem:$0x3FB7] =	sst s9;
	s0 =	simm.s32 @!p0 $0x0  }
0x12: {  	s1 =	sld [smem:$0x3F9D];
	s0 =	simm.s32 @p0 $0x1  }
0x13: {  	[smem:$0x3FB8] =	sst s0;
	s0 =	simm.s32 @!p1 $0x0  }
0x14: {  	s2 =	sld [smem:$0x3F9C];
	s0 =	simm.s32 @p1 $0x1  }
0x15: {  	[smem:$0x3FB9] =	sst s0;
	s0 =	simm.s32 @!p2 $0x0  }
0x16: {  	s3 =	sld [smem:$0x3FDB];
	s0 =	simm.s32 @p2 $0x1  }
0x17: {  	s4 =	simm.s32 $0x1BF5;
	[smem:$0x3FBB] =	sst s0  }
0x18: {  	s0 =	sld [smem:$0x3F9E];
	_ =	swait.ge [sflag:s4], $0x0  }
0x19: {  	s7 =	sld [smem:$0x3F9F]  }
0x1a: {  	s8 =	sadd.s32 $0xFFFFE003, lr  }
0x1b: {  	s9 =	sadd.s32 $0xFFFFFEF7, lr;
	s5 =	simm.s32 $0xFFFFFFFF;
	p2 =	slt.u32 s8, $0xFFFFF086  }
0x1c: {  	p1 =	slt.u32 s9, $0xF7A;
	s5 =	simm.s32 @!p2 $0x0  }
0x1d: {  	s5 =	simm.s32 @p1 $0x1;
	p0 =	seq.s32 s7, s2  }
0x1e: {  	s7 =	smul.u32 @!p0 $0xF7A, s2;
	p2 =	seq.s32 @!p0 s5, $0x0  }
0x1f: {  	s9 =	smul.u32 $0xF7A, s1;
	s8 =	simm.s32 @!p0 $0x1BF5;
	p2 =	por !p2, p0  }
0x20: {  	[sflag:s8] =	ssyncset.s32 @!p0 $0xFFFFF086;
	s6 =	sadd.s32 @!p0 s3, s7;
	s7 =	simm.s32 @!p0 $0x108  }
0x21: {  	s3 =	sadd.s32 s3, s9;
	s6 =	sadd.s32 @!p0 $0x88, s6;
	s7 =	simm.s32 @p2 $0x1082  }
0x22: {  	[simem:s7], [sflag:s8] =	dma.local @!p0 [hbm:s6], $0xF7A  }
0x23: {  	s9 =	sor.u32 $0xD0000000, s2;
	s6 =	simm.s32 $0x108;
	_ =	swait.ge @!p0 [sflag:s8], $0x0  }
0x24: {  	s3 =	sadd.s32 $0x88, s3;
	s6 =	simm.s32 @!p1 $0x1082;
	[sflag:s4] =	ssyncset.s32 $0xFFFFF086  }
0x25: {  	[simem:s6], [sflag:s4] =	dma.local [hbm:s3], $0xF7A  }
0x26: {  	[smem:$0x3F9F] =	sst s1;
	(tag) =	ssettag s2;
	_ =	strace s9  }
0x27: {  	s1 =	sld [smem:$0x3FAF]  }
0x28: {  	s2 =	sld [smem:$0x3FB0]  }
0x29: {  	s4 =	sld [smem:$0x3FB2]  }
0x2a: {  	p0 =	seq.s32 s5, $0x0;
	s5 =	sld [smem:$0x3FB3]  }
0x2b: {  	s6 =	sld [smem:$0x3FB4]  }
0x2c: {  	s7 =	sld [smem:$0x3FB5]  }
0x2d: {  	s3 =	simm.s32 $0x108;
	s8 =	sld [smem:$0x3FB6]  }
0x2e: {  	s3 =	simm.s32 @!p0 $0x1082;
	s9 =	sld [smem:$0x3FB7]  }
0x2f: {  	lr =	sadd.s32 s0, s3;
	s0 =	sld [smem:$0x3FAE]  }
0x30: {  	s3 =	sld [smem:$0x3FB1]  }
0x31: {  	[smem:$0x3FBA] =	sst s10  }
0x32: {  	s10 =	sld [smem:$0x3FB8];
	_ =	sdelay $0x3  }
0x33: {  	p0 =	seq.s32 s10, $0x1;
	s10 =	sld [smem:$0x3FBA];
	_ =	sdelay $0x3  }
0x34: {  	[smem:$0x3FBA] =	sst s10  }
0x35: {  	s10 =	sld [smem:$0x3FB9];
	_ =	sdelay $0x3  }
0x36: {  	p1 =	seq.s32 s10, $0x1;
	s10 =	sld [smem:$0x3FBA];
	_ =	sdelay $0x3  }
0x37: {  	[smem:$0x3FBA] =	sst s10  }
0x38: {  	s10 =	sld [smem:$0x3FBB]  }
0x39: {  	_ = 	snop;
	(pc) =	sbr.ind lr, $3  }
0x3a: {  	_ = 	snop  }
0x3b: {  	_ = 	snop  }
0x3c: {  	p2 =	seq.s32 s10, $0x1;
	s10 =	sld [smem:$0x3FBA]  }
0x3d: {  	_ =	shalt  }
0x3e: {  	_ =	shalt  }
0x3f: {  	_ =	shalt  }
0x40: {  	_ =	shalt  }
0x41: {  	_ =	shalt  }
0x42: {  	_ =	shalt  }
0x43: {  	_ =	shalt  }
0x44: {  	_ =	shalt  }
0x45: {  	_ =	shalt  }
0x46: {  	_ =	shalt  }
0x47: {  	_ =	shalt  }
0x48: {  	_ =	shalt  }
0x49: {  	_ =	shalt  }
0x4a: {  	_ =	shalt  }
0x4b: {  	_ =	shalt  }
0x4c: {  	_ =	shalt  }
0x4d: {  	_ =	shalt  }
0x4e: {  	_ =	shalt  }
0x4f: {  	_ =	shalt  }
0x50: {  	_ =	shalt  }
0x51: {  	_ =	shalt  }
0x52: {  	_ =	shalt  }
0x53: {  	_ =	shalt  }
0x54: {  	_ =	shalt  }
0x55: {  	_ =	shalt  }
0x56: {  	_ =	shalt  }
0x57: {  	_ =	shalt  }
0x58: {  	_ =	shalt  }
0x59: {  	_ =	shalt  }
0x5a: {  	_ =	shalt  }
0x5b: {  	_ =	shalt  }
0x5c: {  	_ =	shalt  }
0x5d: {  	_ =	shalt  }
0x5e: {  	_ =	shalt  }
0x5f: {  	_ =	shalt  }
0x60: {  	_ =	shalt  }
0x61: {  	_ =	shalt  }
0x62: {  	_ =	shalt  }
0x63: {  	_ =	shalt  }
0x64: {  	_ =	shalt  }
0x65: {  	_ =	shalt  }
0x66: {  	_ =	shalt  }
0x67: {  	_ =	shalt  }
0x68: {  	_ =	shalt  }
0x69: {  	_ =	shalt  }
0x6a: {  	_ =	shalt  }
0x6b: {  	_ =	shalt  }
0x6c: {  	_ =	shalt  }
0x6d: {  	_ =	shalt  }
0x6e: {  	_ =	shalt  }
0x6f: {  	_ =	shalt  }
0x70: {  	_ =	shalt  }
0x71: {  	_ =	shalt  }
0x72: {  	_ =	shalt  }
0x73: {  	_ =	shalt  }
0x74: {  	_ =	shalt  }
0x75: {  	_ =	shalt  }
0x76: {  	_ =	shalt  }
0x77: {  	_ =	shalt  }
0x78: {  	_ =	shalt  }
0x79: {  	_ =	shalt  }
0x7a: {  	_ =	shalt  }
0x7b: {  	_ =	shalt  }
0x7c: {  	_ =	shalt  }
0x7d: {  	_ =	shalt  }
0x7e: {  	_ =	shalt  }
0x7f: {  	_ =	shalt  }
0x80: {  	_ =	shalt  }
0x81: {  	_ =	shalt  }
0x82: {  	_ =	shalt  }
0x83: {  	_ =	shalt  }
0x84: {  	_ =	shalt  }
0x85: {  	_ =	shalt  }
0x86: {  	_ =	shalt  }
0x87: {  	_ =	shalt  }
.Lfunc_end0:
.L_simem_size_0:
called_computation_lowered:
.L_overlay_start_0:
0x88: {  	s2 =	sld [smem:$0x3FD9]  }
0x89: {  	s3 =	sld [smem:$0x3FFE];
	_ =	sdelay $0x1  }
0x8a: {  	s1 =	srdreg.scid  }
0x8b: {  	s0 =	sand.u32 $0x1, s1  }
0x8c: {  	s17 =	sshll.u32 s0, $0xA;
	s2 =	sadd.s32 s3, s2  }
0x8d: {  	s2 =	sadd.s32 s2, s17  }
0x8e: {  	[smem:$0x3FC6] =	sst s2  }
0x8f: {  	_ = 	snop  }
0x90: {  	s2 =	sld [smem:$0x3FC9]  }
0x91: {  	s18 =	sld [smem:$0x3FD0];
	(tm) =	ssettm $0x1  }
0x92: {  	s4 =	sld [smem:$0x3FFB];
	_ =	sdelay $0x3  }
0x93: {  	_ =	strace s4  }
0x94: {  	s4 =	sld [smem:$0x3FFC];
	_ =	sdelay $0x3  }
0x95: {  	_ =	strace s4  }
0x96: {  	s4 =	sld [smem:$0x3FFD];
	_ =	sdelay $0x3  }
0x97: {  	_ =	strace s4  }
0x98: {  	_ =	strace $0x8FFFFFFF  }
0x99: {  	s19 =	sld [smem:$0x3FDB];
	_ =	sdelay $0x1  }
0x9a: {  	s5 =	simm.s32 $_scs_section_size  }
0x9b: {  	s6 =	simm.s32 $_size__tile_overlayer_lowered;
	s7 =	simm.s32 $_tile_overlayer_lowered  }
0x9c: {  	s22 =	simm.s32 $0x1BFF;
	s21 =	sshll.u32 s7, $0x1;
	s4 =	sadd.s32 s5, s19  }
0x9d: {  	s8 =	simm.s32 $0x0;
	s20 =	sshll.u32 s6, $0x1;
	s6 =	sadd.s32 s21, s4  }
0x9e: {  	[timem:s8], [sflag:s22] =	dma.local [hbm:s6], s20  }
0x9f: {  	_ =	swait.ge [sflag:s22], s20  }
0xa0: {  	s5 =	ssub.s32 $0x0, s20;
	[sflag:s22] =	ssyncset.done $0x0  }
0xa1: {  	[sflag:s22] =	ssyncadd.s32 s5;
	_ =	sdelay $0x1  }
0xa2: {  	s23 =	simm.s32 $0x1B8B  }
0xa3: {  	_ =	swait.ge [sflag:s23], $0x1  }
0xa4: {  	[sflag:s23] =	ssyncset.done $0x0  }
0xa5: {  	s25 =	simm.s32 $0x1B8E;
	s24 =	sld [smem:$0x3FFE];
	[sflag:s23] =	ssyncadd.s32 $0xFFFFFFFF  }
0xa6: {  	s26 =	simm.s32 $execute0_lowered;
	[smem:$0x3FD2] =	sst s25  }
0xa7: {  	s6 =	sshll.u32 s26, $0x1;
	_ =	strace $0x80000046;
	[dreg:$0x1] =	wrdreg $0xFFFFFFFF  }
0xa8: {  	s28 =	simm.s32 $_size_execute0_lowered;
	s4 =	sadd.s32 s4, s6;
	[dreg:$0x0] =	wrdreg $0x0  }
0xa9: {  	s6 =	sshll.u32 s28, $0x1;
	[dreg:$0x2] =	wrdreg s4  }
0xaa: {  	[dreg:$0x3] =	wrdreg s6  }
0xab: {  	[dreg:$0x4] =	wrdreg $0xC0  }
0xac: {  	_ =	task [dreg:s8], $0x5FFFF  }
0xad: {  	[dreg:$0x1] =	wrdreg $0xFFFFFFFF  }
0xae: {  	[dreg:$0x0] =	wrdreg $0x60  }
0xaf: {  	[dreg:$0x2] =	wrdreg s24  }
0xb0: {  	[dreg:$0x3] =	wrdreg s2  }
0xb1: {  	[dreg:$0x4] =	wrdreg s18  }
0xb2: {  	[dreg:$0x5] =	wrdreg $0x9  }
0xb3: {  	_ =	task.clear_ibuf [dreg:s8], $0x6FFFF;
	_ =	strace $0x90000046  }
0xb4: {  	s29 =	simm.s32 $0x9;
	_ =	strace $0x80000048  }
0xb5: {  	_ =	swait.ge [sflag:s29], $0x1  }
0xb6: {  	[sflag:s29] =	ssyncadd.s32 $0xFFFFFFFF  }
0xb7: {  	_ =	strace $0x90000048  }
0xb8: {  	_ =	sfence  }
0xb9: {  	s30 =	sld [smem:$0x0];
	_ =	sdelay $0x2  }
0xba: {  	s31 =	sshll.u32 s1, $0xD;
	s1 =	sshrl.u32 s1, $0x2  }
0xbb: {  	s3 =	sand.u32 $0x4000, s31;
	s1 =	sadd.s32 s1, s30  }
0xbc: {  	s0 =	sor.u32 s3, s0;
	s1 =	sshll.u32 s1, $0x11  }
0xbd: {  	s0 =	sor.u32 s1, s0  }
0xbe: {  	s0 =	sadd.s32 $0x8F2B, s0  }
0xbf: {  	[sflag:s0] =	ssyncadd.remote.s32 $0x1  }
0xc0: {  	_ =	sfence.sel $0xFFFF  }
0xc1: {  	[dreg:$0x0] =	wrdreg $0xFFFFFFFF;
	(pc) =	sbr.abs _section_cstart, $3  }
0xc2: {  	[dreg:$0x1] =	wrdreg $0xFFFFFFFF  }
0xc3: {  	_ =	task.clear_ibuf [dreg:s8], $0x2FFFF;
	_ =	strace $0x9FFFFFFF  }
0xc4: {  	(tm) =	ssettm $0x7FFFFFFF  }
0xc5: {  	_ =	shalt  }
tec
execute0_lowered:
.L_overlay_start_1:
0x0: {  	(tag) =	ssettag $0x1  }
0x1: {  	s4 =	rddreg [dreg:$0x0]  }
0x2: {  	s6 =	rddreg [dreg:$0x1]  }
0x3: {  	s2 =	rddreg [dreg:$0x2]  }
0x4: {  	s3 =	srdreg.scid;
	s0 =	stileid.u32;
	s10 =	simm.s32 $0x6400  }
0x5: {  	s11 =	simm.s32 $0xA400;
	s12 =	simm.s32 $0x1;
	s13 =	simm.s32 $0xE400  }
0x6: {  	s14 =	simm.s32 $0x2;
	s15 =	simm.s32 $0x12800;
	s16 =	simm.s32 $0x3  }
0x7: {  	s17 =	simm.s32 $0x4;
	s18 =	simm.s32 $0x200;
	s19 =	simm.s32 $0x0  }
0x8: {  	s5 =	sand.u32 $0x1, s3;
	s7 =	sshll.u32 s0, $0x1;
	s3 =	simm.s32 $0x0  }
.Ltmp0:
0x9: {  	s8 =	ssub.s32 $0x2, s5;
	s5 =	sor.u32 s5, s7;
	(pc) =	sbr.rel .LBB2_1-.Ltmp0, $4  }
0xa: {  	v2 =	vlaneseq.u32;
	s4 =	sadd.s32 $0xF42800, s4;
	[smem:$0x7FF] =	sst s3;
	s9 =	smul.u32 $0xC80, s5  }
0xb: {  	v0 =	vmul.u32 $0x88, v2;
	s7 =	sadd.s32 $0x10000, s2;
	s30 =	sshrl.u32 s8, $0x1;
	_ =	strace $0x80000047  }
0xc: {  	v1 =	vimm.s32 $0x0;
	vm0 =	vcmask $0x300;
	v3 =	vimm.f32 $0.0e+00;
	s5 =	smul.u32 $0x19, s5;
	s8 =	ssub.s32 s8, s30;
	s31 =	sadd.s32 s6, s9  }
0xd: {  	v2 =	vmul.u32 $0x20, v2;
	v4 =	vsel vm0, $0x3, v1;
	v5 =	vadd.s32 $0x880, v0;
	s8 =	smax.u32 s8, $0x1;
	s9 =	simm.s32 $0x5;
	[dreg:$0x4] =	wrdreg s31  }
.LBB2_24:
0xe: {  	s19 =	sadd.s32 $0x1, s19  }
0xf: {  	_ =	swait.ge [sflag:s16], $0x4000;
	p0 =	sne.s32 s19, s8  }
.Ltmp1:
0x10: {  	[sflag:s16] =	ssyncset.done $0x0;
	(pc) =	sbr.rel @!p0 .LBB2_25-.Ltmp1, $4  }
0x11: {  	[sflag:s16] =	ssyncadd.s32 $0xFFFFC000  }
0x12: {  	_ =	swait.ge [sflag:s17], $0x4000  }
0x13: {  	[sflag:s17] =	ssyncset.done $0x0  }
0x14: {  	[sflag:s17] =	ssyncadd.s32 $0xFFFFC000  }
.LBB2_1:
0x15: {  	s0 =	rddreg [dreg:$0x4]  }
0x16: {  	[tilespmem:s3], [sflag:$0x5] =	stream.linear.gather [hbm4b:s0+s3], $0x6400, $0x38;
	[tilespmem:$0x16C00] =	vst v63  }
0x17: {  	_ =	swait.ge [sflag:s9], $0x6400  }
0x18: {  	[sflag:s9] =	ssyncset.done $0x0  }
0x19: {  	[sflag:s9] =	ssyncadd.s32 $0xFFFF9C00  }
0x1a: {  	[tilespmem:s10], [sflag:$0x1] =	stream.indirect.gather [hbm4b:s4+s18], $0x20, s3, s18, $0xb8;
	[tilespmem:$0x16C00] =	vst v63  }
0x1b: {  	s20 =	simm.s32 $0x200;
	s21 =	simm.s32 $0x0;
	s22 =	simm.s32 $0x0  }
0x1c: {  	[tilespmem:s11], [sflag:$0x2] =	stream.indirect.gather [hbm4b:s4+s18], $0x20, s18, s18, $0xb8;
	[tilespmem:$0x16C00] =	vst v63  }
.LBB2_2:
0x1d: {  	v6 =	vmov s21;
	_ =	sdelay $0x1  }
0x1e: {  	_ =	swait.ge [sflag:s12], $0x4000  }
0x1f: {  	[sflag:s12] =	ssyncset.done $0x0  }
0x20: {  	s24 =	simm.s32 $0x0;
	[sflag:s12] =	ssyncadd.s32 $0xFFFFC000  }
0x21: {  	v7 =	vimm.s32 $0x1;
	s23 =	simm.s32 $0x40;
	v8 =	vld.idx.msk [tilespmem:v6+s24+$0x0 ss:$0x1], $0xffff  }
.LBB2_3:
0x22: {  	p0 =	sne.s32 s23, $0x7C0  }
.Ltmp2:
0x23: {  	_ = 	snop;
	(pc) =	sbr.rel @p0 .LBB2_3-.Ltmp2, $4  }
0x24: {  	_ = 	snop  }
0x25: {  	s24 =	sshra.s32 s23, $0x2;
	s23 =	sadd.s32 $0x40, s23  }
0x26: {  	vm0 =	vlt.s32 v7, v8;
	v9 =	vmov v8;
	v8 =	vld.idx.msk [tilespmem:v6+s24+$0x0 ss:$0x1], $0xffff  }
0x27: {  	v7 =	vsel vm0, v7, v9  }
0x28: {  	_ =	sdelay $0x2  }
0x29: {  	vm0 =	vlt.s32 v7, v8  }
0x2a: {  	v6 =	vsel vm0, v7, v8  }
0x2b: {  	v6 =	vxor.u32 $0x80000000, v6  }
0x2c: {  	(xrf0) =	vmin.scan.msk.u32 $0xffff, v6;
	_ =	sdelay $0x5  }
0x2d: {  	v6, _, _ =	vpop (xrf0)  }
0x2e: {  	(v2sf) =	vpush v6, $0xF;
	_ =	sdelay $0xe  }
0x2f: {  	s23 =	spop (v2sf)  }
0x30: {  	p0 =	sne.s32 s23, $0x80000000  }
.Ltmp3:
0x31: {  	_ = 	snop;
	(pc) =	sbr.rel @!p0 .LBB2_5-.Ltmp3, $2  }
0x32: {  	_ =	sdelay $0x2  }
0x33: {  	s24 =	smov.u32 s21;
	s23 =	simm.s32 $0x0  }
.LBB2_8:
0x34: {  	s23 =	simm.s32 $0x0  }
0x35: {  	s24 =	simm.s32 $0x1;
	s25 =	simm.s32 $0x0;
	s26 =	simm.s32 $0x6  }
0x36: {  	s24 =	sand.u32 $0x78, s24;
	s28 =	sand.u32 $0x78, s23;
	v6 =	vmov s25;
	s25 =	simm.s32 $0x7  }
0x37: {  	s29 =	simm.s32 $0x5;
	s26 =	sand.u32 $0x78, s26;
	v7 =	vmov s24;
	v8 =	vmov s28;
	v6 =	vmul.u32 $0x1100, v6;
	s24 =	sand.u32 $0x78, s25  }
0x38: {  	s30 =	simm.s32 $0x4;
	v9 =	vmov s26;
	s25 =	sand.u32 $0x78, s29;
	v10 =	vmov s24;
	v8 =	vshrl.u32 v8, $0x3  }
0x39: {  	s28 =	simm.s32 $0x3;
	s26 =	sand.u32 $0x78, s30;
	v7 =	vshrl.u32 v7, $0x3;
	v9 =	vshrl.u32 v9, $0x3;
	v13 =	vmov s25  }
0x3a: {  	s31 =	simm.s32 $0x2;
	s24 =	sand.u32 $0x78, s28;
	v15 =	vmov s26;
	v6 =	vbroadcast v6, $0x0;
	v8 =	vshll.u32 v8, v4  }
0x3b: {  	s25 =	sand.u32 $0x78, s31;
	v9 =	vshll.u32 v9, v4;
	v7 =	vshll.u32 v7, v4;
	v12 =	vmov s24  }
0x3c: {  	p0 =	seq.s32 s22, $0x0;
	v15 =	vshrl.u32 v15, $0x3;
	v23 =	vmov s25;
	v11 =	vbroadcast v8, $0x0  }
0x3d: {  	s24 =	simm.s32 @!p0 $0x3;
	v8 =	vshrl.u32 v10, $0x3;
	v10 =	vbroadcast v7, $0x0;
	v9 =	vbroadcast v9, $0x0  }
0x3e: {  	_ =	swait.ge @!p0 [sflag:s24], $0x4000;
	v12 =	vshrl.u32 v12, $0x3;
	v8 =	vshll.u32 v8, v4;
	v7 =	vadd.s32 v0, v6  }
0x3f: {  	[sflag:s24] =	ssyncset.done @!p0 $0x0;
	v12 =	vshll.u32 v12, v4;
	v14 =	vbroadcast v8, $0x0;
	v8 =	vadd.s32 v7, v10  }
0x40: {  	[sflag:s24] =	ssyncadd.s32 @!p0 $0xFFFFC000;
	s24 =	simm.s32 $0x6480;
	v24 =	vadd.s32 v7, v9;
	v26 =	vadd.s32 v11, v7;
	v16 =	vor.u32 $0x1, v8  }
0x41: {  	v8 =	vadd.s32 v5, v6;
	v6 =	vshrl.u32 v13, $0x3;
	v18 =	vld [tilespmem:s24+$0xFFFFFFA0];
	v17 =	vadd.s32 v7, v14  }
0x42: {  	v12 =	vbroadcast v12, $0x0;
	v6 =	vshll.u32 v6, v4;
	v13 =	vor.u32 $0x7, v17;
	v17 =	vld [tilespmem:s24+$0x60]  }
0x43: {  	v25 =	vld [tilespmem:s24+$0xFFFFFF80];
	v9 =	vadd.s32 v8, v9;
	v22 =	vadd.s32 v11, v8;
	v20 =	vbroadcast v6, $0x0  }
0x44: {  	v27 =	vld [tilespmem:s24+$0xFFFFFF90];
	v11 =	vshll.u32 v15, v4;
	v15 =	vadd.s32 v8, v14;
	v6 =	vor.u32 $0x6, v9  }
0x45: {  	v19 =	vld [tilespmem:s24+$0x20];
	v9 =	vadd.s32 v8, v10;
	v14 =	vadd.s32 v7, v20;
	v20 =	vadd.s32 v8, v20  }
0x46: {  	v10 =	vld [tilespmem:s24+$0x70];
	v21 =	vor.u32 $0x5, v14;
	v14 =	vor.u32 $0x1, v9;
	v9 =	vor.u32 $0x5, v20  }
0x47: {  	v20 =	vor.u32 $0x7, v15;
	v15 =	vshrl.u32 v23, $0x3;
	v23 =	vbroadcast v11, $0x0;
	v11 =	vld [tilespmem:s24+$0x30];
	[tilespmem:v13+s13+$0x0] =	vst.idx.msk $0xffff, v17  }
0x48: {  	v13 =	vld [tilespmem:s24+$0xFFFFFFB0];
	[tilespmem:v16+s13+$0x0] =	vst.idx.msk $0xffff, v18;
	v16 =	vadd.s32 v7, v12  }
0x49: {  	[tilespmem:v26+s13+$0x0] =	vst.idx.msk $0xffff, v25;
	v17 =	vshll.u32 v15, v4;
	v15 =	vld [tilespmem:s24+$0xFFFFFFE0];
	v12 =	vadd.s32 v8, v12;
	v16 =	vor.u32 $0x3, v16  }
0x4a: {  	s26 =	simm.s32 $0x6580;
	s25 =	sadd.s32 s5, s22;
	[tilespmem:v22+s13+$0x0] =	vst.idx.msk $0xffff, v27;
	v22 =	vbroadcast v17, $0x0;
	v17 =	vld [tilespmem:s24+$0xFFFFFFF0];
	v18 =	vor.u32 $0x3, v12;
	v12 =	vor.u32 $0x6, v24  }
.LBB2_9:
0x4b: {  	s28 =	sadd.s32 $0x9, s23  }
0x4c: {  	s29 =	sadd.s32 $0xA, s23;
	v24 =	vadd.s32 v7, v23;
	v23 =	vadd.s32 v8, v23;
	[tilespmem:v21+s13+$0x0] =	vst.idx.msk $0xffff, v19;
	v19 =	vld [tilespmem:s24+$0x50];
	s30 =	smov.u32 s23;
	s23 =	sadd.s32 $0x8, s23  }
0x4d: {  	s31 =	sshrl.u32 s23, $0x7;
	s0 =	sand.u32 $0x78, s23;
	s28 =	sand.u32 $0x78, s28;
	v7 =	vadd.s32 v7, v22;
	v21 =	vor.u32 $0x4, v24;
	v23 =	vor.u32 $0x4, v23;
	v24 =	vld [tilespmem:s24+$0x40];
	[tilespmem:v20+s13+$0x0] =	vst.idx.msk $0xffff, v10  }
0x4e: {  	s1 =	sadd.s32 $0xF, s30;
	v8 =	vadd.s32 v8, v22;
	v10 =	vmov s31;
	v20 =	vmov s28;
	s28 =	sadd.s32 $0xB, s30;
	s31 =	sadd.s32 $0xE, s30;
	[tilespmem:v14+s13+$0x0] =	vst.idx.msk $0xffff, v13;
	v13 =	vld [tilespmem:s24+$0x0]  }
0x4f: {  	v14 =	vmov s0;
	s0 =	sadd.s32 $0xD, s30;
	s1 =	sand.u32 $0x78, s1;
	v7 =	vor.u32 $0x2, v7;
	v10 =	vmul.u32 $0x1100, v10;
	s31 =	sand.u32 $0x78, s31;
	v22 =	vld [tilespmem:s24+$0xFFFFFFC0];
	[tilespmem:v16+s13+$0x0] =	vst.idx.msk $0xffff, v15  }
0x50: {  	s30 =	sadd.s32 $0xC, s30;
	v8 =	vor.u32 $0x2, v8;
	s6 =	sand.u32 $0x78, s28;
	s0 =	sand.u32 $0x78, s0;
	v16 =	vmov s1;
	v15 =	vmov s31;
	[tilespmem:v18+s13+$0x0] =	vst.idx.msk $0xffff, v17;
	v17 =	vld [tilespmem:s24+$0x10]  }
0x51: {  	p1 =	slt.u32 s23, $0x1F8;
	v14 =	vshrl.u32 v14, $0x3;
	s28 =	sand.u32 $0x78, s29;
	s1 =	sand.u32 $0x78, s30;
	v18 =	vshrl.u32 v20, $0x3;
	v15 =	vshrl.u32 v15, $0x3;
	v20 =	vld [tilespmem:s24+$0xFFFFFFD0];
	[tilespmem:v9+s13+$0x0] =	vst.idx.msk $0xffff, v11  }
0x52: {  	v9 =	vbroadcast v10, $0x0;
	v10 =	vshll.u32 v14, v4;
	s24 =	smov.u32 s26;
	v11 =	vshll.u32 v15, v4;
	[tilespmem:v12+s13+$0x0] =	vst.idx.msk $0xffff, v24  }
0x53: {  	v14 =	vshrl.u32 v16, $0x3;
	v12 =	vbroadcast v10, $0x0;
	v10 =	vshll.u32 v18, v4;
	[tilespmem:v21+s13+$0x0] =	vst.idx.msk $0xffff, v13  }
0x54: {  	v14 =	vshll.u32 v14, v4;
	v10 =	vbroadcast v10, $0x0;
	v13 =	vmov s6;
	[tilespmem:v7+s13+$0x0] =	vst.idx.msk $0xffff, v22  }
0x55: {  	v15 =	vmov s0;
	v14 =	vbroadcast v14, $0x0;
	v7 =	vadd.s32 v0, v9;
	[tilespmem:v23+s13+$0x0] =	vst.idx.msk $0xffff, v17  }
0x56: {  	v11 =	vbroadcast v11, $0x0;
	v16 =	vadd.s32 v7, v10;
	v17 =	vmov s1;
	[tilespmem:v6+s13+$0x0] =	vst.idx.msk $0xffff, v19  }
0x57: {  	v16 =	vor.u32 $0x1, v16;
	v17 =	vshrl.u32 v17, $0x3;
	v6 =	vadd.s32 v7, v14;
	[tilespmem:v8+s13+$0x0] =	vst.idx.msk $0xffff, v20  }
0x58: {  	v8 =	vadd.s32 v5, v9;
	v9 =	vshrl.u32 v15, $0x3;
	v15 =	vor.u32 $0x7, v6  }
0x59: {  	v24 =	vadd.s32 v7, v11;
	v6 =	vshll.u32 v9, v4;
	v9 =	vadd.s32 v8, v11;
	v11 =	vld [tilespmem:s26+$0x60]  }
0x5a: {  	v13 =	vshrl.u32 v13, $0x3;
	v20 =	vbroadcast v6, $0x0;
	v6 =	vor.u32 $0x6, v9;
	v18 =	vld [tilespmem:s26+$0xFFFFFFA0]  }
0x5b: {  	v13 =	vshll.u32 v13, v4;
	v22 =	vadd.s32 v12, v8;
	v9 =	vadd.s32 v8, v10;
	v10 =	vld [tilespmem:s26+$0x70]  }
0x5c: {  	v17 =	vshll.u32 v17, v4;
	v12 =	vadd.s32 v12, v7;
	v23 =	vadd.s32 v8, v14;
	v25 =	vld [tilespmem:s26+$0xFFFFFF80]  }
0x5d: {  	v27 =	vbroadcast v13, $0x0;
	v13 =	vadd.s32 v7, v20;
	v26 =	vld [tilespmem:s26+$0xFFFFFF90]  }
.Ltmp4:
0x5e: {  	v28 =	vmov s28;
	v20 =	vadd.s32 v8, v20;
	v21 =	vor.u32 $0x5, v13;
	v19 =	vld [tilespmem:s26+$0x20];
	[tilespmem:v15+s13+$0x0] =	vst.idx.msk $0xffff, v11;
	(pc) =	sbr.rel @p1 .LBB2_9-.Ltmp4, $4  }
0x5f: {  	v14 =	vor.u32 $0x1, v9;
	v9 =	vor.u32 $0x5, v20;
	v20 =	vor.u32 $0x7, v23;
	v13 =	vld [tilespmem:s26+$0xFFFFFFB0]  }
0x60: {  	v23 =	vbroadcast v17, $0x0;
	v15 =	vshrl.u32 v28, $0x3;
	[tilespmem:v16+s13+$0x0] =	vst.idx.msk $0xffff, v18;
	v16 =	vadd.s32 v7, v27;
	v11 =	vld [tilespmem:s26+$0x30]  }
0x61: {  	v18 =	vadd.s32 v8, v27;
	[tilespmem:v12+s13+$0x0] =	vst.idx.msk $0xffff, v25;
	v12 =	vshll.u32 v15, v4;
	v15 =	vld [tilespmem:s26+$0xFFFFFFE0];
	v16 =	vor.u32 $0x3, v16  }
0x62: {  	v18 =	vor.u32 $0x3, v18;
	s26 =	sadd.s32 $0x100, s26;
	[tilespmem:v22+s13+$0x0] =	vst.idx.msk $0xffff, v26;
	v22 =	vbroadcast v12, $0x0;
	v17 =	vld [tilespmem:s24+$0xFFFFFFF0];
	v12 =	vor.u32 $0x6, v24  }
0x63: {  	_ =	sdelay $0x3  }
0x64: {  	[tilespmem:v21+s13+$0x0] =	vst.idx.msk $0xffff, v19  }
0x65: {  	v54 =	vadd.s32 v7, v23;
	v55 =	vld [tilespmem:s24+$0x40];
	[tilespmem:v20+s13+$0x0] =	vst.idx.msk $0xffff, v10  }
0x66: {  	v57 =	vld [tilespmem:s24+$0x0];
	v56 =	vor.u32 $0x4, v54;
	[tilespmem:v14+s13+$0x0] =	vst.idx.msk $0xffff, v13  }
0x67: {  	v61 =	vld [tilespmem:s24+$0x50];
	v7 =	vadd.s32 v7, v22;
	[tilespmem:v9+s13+$0x0] =	vst.idx.msk $0xffff, v11  }
0x68: {  	v58 =	vadd.s32 v8, v23;
	v59 =	vld [tilespmem:s24+$0xFFFFFFC0];
	v7 =	vor.u32 $0x2, v7;
	[tilespmem:v16+s13+$0x0] =	vst.idx.msk $0xffff, v15  }
0x69: {  	v60 =	vld [tilespmem:s24+$0x10];
	v14 =	vor.u32 $0x4, v58;
	v62 =	vadd.s32 v8, v22;
	[tilespmem:v18+s13+$0x0] =	vst.idx.msk $0xffff, v17  }
0x6a: {  	v63 =	vld [tilespmem:s24+$0xFFFFFFD0];
	v8 =	vor.u32 $0x2, v62;
	[tilespmem:v12+s13+$0x0] =	vst.idx.msk $0xffff, v55  }
0x6b: {  	[tilespmem:v56+s13+$0x0] =	vst.idx.msk $0xffff, v57  }
0x6c: {  	s0 =	sshll.u32 s25, $0x7;
	s1 =	sshll.u32 s25, $0xC;
	[tilespmem:v6+s13+$0x0] =	vst.idx.msk $0xffff, v61  }
0x6d: {  	s0 =	sand.u32 $0xF80, s0;
	s1 =	sand.u32 $0xFFE0000, s1;
	[tilespmem:v7+s13+$0x0] =	vst.idx.msk $0xffff, v59  }
0x6e: {  	s23 =	sor.u32 s0, s1;
	[tilespmem:v14+s13+$0x0] =	vst.idx.msk $0xffff, v60  }
0x6f: {  	s6 =	simm.s32 $0xE400;
	s0 =	sadd.s32 s2, s23;
	[tilespmem:v8+s13+$0x0] =	vst.idx.msk $0xffff, v63  }
0x70: {  	[hbm4b:s0+s3] =	stream.linear.scatter [tilespmem:s6], [sflag:$0x3], $0x80, $0x38;
	[tilespmem:$0x16C00] =	vst v63  }
0x71: {  	s24 =	simm.s32 $0xE488;
	s6 =	sadd.s32 $0x10, s0  }
0x72: {  	[hbm4b:s6+s3] =	stream.linear.scatter [tilespmem:s24], [sflag:$0x3], $0x80, $0x38;
	[tilespmem:$0x16C00] =	vst v63  }
0x73: {  	s25 =	simm.s32 $0xE510;
	s30 =	simm.s32 $0xE598;
	s26 =	sadd.s32 $0x20, s0  }
0x74: {  	[hbm4b:s26+s3] =	stream.linear.scatter [tilespmem:s25], [sflag:$0x3], $0x80, $0x38;
	[tilespmem:$0x16C00] =	vst v63  }
0x75: {  	s28 =	simm.s32 $0xE7B8;
	s31 =	sadd.s32 $0x30, s0;
	s29 =	sadd.s32 $0x70, s0  }
0x76: {  	[hbm4b:s31+s3] =	stream.linear.scatter [tilespmem:s30], [sflag:$0x3], $0x80, $0x38;
	[tilespmem:$0x16C00] =	vst v63  }
0x77: {  	s6 =	simm.s32 $0xE620;
	s24 =	sadd.s32 $0x40, s0;
	s25 =	simm.s32 $0xE6A8  }
0x78: {  	[hbm4b:s24+s3] =	stream.linear.scatter [tilespmem:s6], [sflag:$0x3], $0x80, $0x38;
	[tilespmem:$0x16C00] =	vst v63  }
0x79: {  	s26 =	sadd.s32 $0x50, s0;
	s30 =	simm.s32 $0xE730;
	s31 =	sadd.s32 $0x60, s0  }
0x7a: {  	[hbm4b:s26+s3] =	stream.linear.scatter [tilespmem:s25], [sflag:$0x3], $0x80, $0x38;
	[tilespmem:$0x16C00] =	vst v63  }
0x7b: {  	s24 =	simm.s32 $0x440;
	s26 =	simm.s32 $0x2200;
	s25 =	sadd.s32 $0x1000, s0  }
0x7c: {  	[hbm4b:s31+s3] =	stream.linear.scatter [tilespmem:s30], [sflag:$0x3], $0x80, $0x38;
	[tilespmem:$0x16C00] =	vst v63  }
.LBB2_11:
0x7d: {  	[hbm4b:s29+s3] =	stream.linear.scatter [tilespmem:s28], [sflag:$0x3], $0x80, $0x38;
	[tilespmem:$0x16C00] =	vst v63  }
0x7e: {  	s0 =	smov.u32 s24;
	s1 =	smov.u32 s26  }
0x7f: {  	s24 =	sshra.s32 s1, $0x2;
	s1 =	sadd.s32 $0x1100, s26;
	s6 =	sadd.s32 $0xE400, s0  }
0x80: {  	[hbm4b:s25+s3] =	stream.linear.scatter [tilespmem:s6], [sflag:$0x3], $0x80, $0x38;
	[tilespmem:$0x16C00] =	vst v63  }
0x81: {  	p1 =	sne.s32 s26, $0xFF00;
	s26 =	sadd.s32 $0x10, s25;
	s6 =	sadd.s32 $0xE488, s0  }
0x82: {  	[hbm4b:s26+s3] =	stream.linear.scatter [tilespmem:s6], [sflag:$0x3], $0x80, $0x38;
	[tilespmem:$0x16C00] =	vst v63  }
0x83: {  	s6 =	sadd.s32 $0xE510, s0;
	s26 =	sadd.s32 $0x20, s25  }
0x84: {  	[hbm4b:s26+s3] =	stream.linear.scatter [tilespmem:s6], [sflag:$0x3], $0x80, $0x38;
	[tilespmem:$0x16C00] =	vst v63  }
0x85: {  	s6 =	sadd.s32 $0xE598, s0;
	s26 =	sadd.s32 $0x30, s25  }
0x86: {  	[hbm4b:s26+s3] =	stream.linear.scatter [tilespmem:s6], [sflag:$0x3], $0x80, $0x38;
	[tilespmem:$0x16C00] =	vst v63  }
0x87: {  	s6 =	sadd.s32 $0xE620, s0;
	s26 =	sadd.s32 $0x40, s25  }
0x88: {  	[hbm4b:s26+s3] =	stream.linear.scatter [tilespmem:s6], [sflag:$0x3], $0x80, $0x38;
	[tilespmem:$0x16C00] =	vst v63  }
.Ltmp5:
0x89: {  	s6 =	sadd.s32 $0xE6A8, s0;
	s26 =	sadd.s32 $0x50, s25;
	(pc) =	sbr.rel @p1 .LBB2_11-.Ltmp5, $4  }
0x8a: {  	[hbm4b:s26+s3] =	stream.linear.scatter [tilespmem:s6], [sflag:$0x3], $0x80, $0x38;
	[tilespmem:$0x16C00] =	vst v63  }
0x8b: {  	s29 =	sadd.s32 $0x70, s25;
	s6 =	sadd.s32 $0xE730, s0;
	s26 =	sadd.s32 $0x60, s25  }
0x8c: {  	[hbm4b:s26+s3] =	stream.linear.scatter [tilespmem:s6], [sflag:$0x3], $0x80, $0x38;
	[tilespmem:$0x16C00] =	vst v63  }
0x8d: {  	s28 =	sadd.s32 $0xE7B8, s0;
	s25 =	sadd.s32 $0x1000, s25;
	s26 =	smov.u32 s1  }
0x8e: {  	[hbm4b:s29+s3] =	stream.linear.scatter [tilespmem:s28], [sflag:$0x3], $0x80, $0x38;
	[tilespmem:$0x16C00] =	vst v63  }
0x8f: {  	s0 =	sadd.s32 $0xE400, s24  }
0x90: {  	[hbm4b:s25+s3] =	stream.linear.scatter [tilespmem:s0], [sflag:$0x3], $0x80, $0x38;
	[tilespmem:$0x16C00] =	vst v63  }
0x91: {  	s31 =	sadd.s32 $0xE488, s24;
	s1 =	sadd.s32 $0x10, s25  }
0x92: {  	[hbm4b:s1+s3] =	stream.linear.scatter [tilespmem:s31], [sflag:$0x3], $0x80, $0x38;
	[tilespmem:$0x16C00] =	vst v63  }
0x93: {  	s6 =	sadd.s32 $0xE510, s24;
	s26 =	sadd.s32 $0x20, s25  }
0x94: {  	[hbm4b:s26+s3] =	stream.linear.scatter [tilespmem:s6], [sflag:$0x3], $0x80, $0x38;
	[tilespmem:$0x16C00] =	vst v63  }
0x95: {  	s28 =	sadd.s32 $0xE598, s24;
	s29 =	sadd.s32 $0x30, s25  }
0x96: {  	[hbm4b:s29+s3] =	stream.linear.scatter [tilespmem:s28], [sflag:$0x3], $0x80, $0x38;
	[tilespmem:$0x16C00] =	vst v63  }
0x97: {  	s30 =	sadd.s32 $0xE620, s24;
	s31 =	sadd.s32 $0x40, s25  }
0x98: {  	[hbm4b:s31+s3] =	stream.linear.scatter [tilespmem:s30], [sflag:$0x3], $0x80, $0x38;
	[tilespmem:$0x16C00] =	vst v63  }
0x99: {  	p1 =	seq.s32 s22, $0x18;
	s1 =	sadd.s32 $0xE6A8, s24;
	s6 =	sadd.s32 $0x50, s25  }
0x9a: {  	[hbm4b:s6+s3] =	stream.linear.scatter [tilespmem:s1], [sflag:$0x3], $0x80, $0x38;
	[tilespmem:$0x16C00] =	vst v63  }
0x9b: {  	s0 =	sshll.u32 @!p1 s22, $0xA;
	s26 =	sadd.s32 $0xE730, s24;
	s28 =	sadd.s32 $0x60, s25  }
0x9c: {  	[hbm4b:s28+s3] =	stream.linear.scatter [tilespmem:s26], [sflag:$0x3], $0x80, $0x38;
	[tilespmem:$0x16C00] =	vst v63  }
0x9d: {  	s0 =	sand.u32 @!p1 $0x3FFFFC00, s0;
	s29 =	sadd.s32 $0xE7B8, s24;
	s30 =	sadd.s32 $0x70, s25  }
0x9e: {  	[hbm4b:s30+s3] =	stream.linear.scatter [tilespmem:s29], [sflag:$0x3], $0x80, $0x38;
	[tilespmem:$0x16C00] =	vst v63  }
0x9f: {  	v6 =	vmov s20;
	s0 =	sadd.s32 @!p1 $0x400, s0;
	s1 =	simm.s32 @!p1 $0x200;
	s6 =	simm.s32 @!p1 $0x6400  }
0xa0: {  	[tilespmem:s6], [sflag:$0x1] =	stream.indirect.gather @!p1 [hbm4b:s4+s1], $0x20, s0, s1, $0xb8;
	[tilespmem:$0x16C00] =	vst v63  }
0xa1: {  	_ =	swait.ge [sflag:s14], $0x4000  }
0xa2: {  	[sflag:s14] =	ssyncset.done $0x0  }
0xa3: {  	s31 =	simm.s32 $0x0;
	[sflag:s14] =	ssyncadd.s32 $0xFFFFC000  }
0xa4: {  	v7 =	vimm.s32 $0x1;
	s24 =	simm.s32 $0x40;
	v8 =	vld.idx.msk [tilespmem:v6+s31+$0x0 ss:$0x1], $0xffff  }
.LBB2_13:
0xa5: {  	p2 =	sne.s32 s24, $0x7C0  }
.Ltmp6:
0xa6: {  	_ = 	snop;
	(pc) =	sbr.rel @p2 .LBB2_13-.Ltmp6, $4  }
0xa7: {  	_ = 	snop  }
0xa8: {  	s0 =	sshra.s32 s24, $0x2;
	s24 =	sadd.s32 $0x40, s24  }
0xa9: {  	vm0 =	vlt.s32 v7, v8;
	v9 =	vmov v8;
	v8 =	vld.idx.msk [tilespmem:v6+s0+$0x0 ss:$0x1], $0xffff  }
0xaa: {  	v7 =	vsel vm0, v7, v9  }
0xab: {  	_ =	sdelay $0x2  }
0xac: {  	vm0 =	vlt.s32 v7, v8  }
0xad: {  	v6 =	vsel vm0, v7, v8  }
0xae: {  	v6 =	vxor.u32 $0x80000000, v6  }
0xaf: {  	(xrf0) =	vmin.scan.msk.u32 $0xffff, v6;
	_ =	sdelay $0x5  }
0xb0: {  	v6, _, _ =	vpop (xrf0)  }
0xb1: {  	(v2sf) =	vpush v6, $0xF;
	_ =	sdelay $0xe  }
0xb2: {  	s0 =	spop (v2sf)  }
0xb3: {  	p2 =	sne.s32 s0, $0x80000000  }
.Ltmp7:
0xb4: {  	_ = 	snop;
	(pc) =	sbr.rel @!p2 .LBB2_15-.Ltmp7, $2  }
0xb5: {  	_ =	sdelay $0x2  }
0xb6: {  	s24 =	simm.s32 $0x0;
	s25 =	smov.u32 s20  }
.LBB2_18:
0xb7: {  	s24 =	simm.s32 $0x0;
	s0 =	simm.s32 $0x1  }
0xb8: {  	s1 =	simm.s32 $0x0;
	s6 =	simm.s32 $0x6;
	s30 =	simm.s32 $0x4  }
0xb9: {  	s0 =	sand.u32 $0x78, s0;
	s25 =	sand.u32 $0x78, s24;
	v6 =	vmov s1;
	s1 =	simm.s32 $0x7  }
0xba: {  	s26 =	sand.u32 $0x78, s6;
	s6 =	sand.u32 $0x78, s30;
	v7 =	vmov s0;
	v8 =	vmov s25;
	v6 =	vmul.u32 $0x1100, v6;
	s0 =	sand.u32 $0x78, s1  }
0xbb: {  	s29 =	simm.s32 $0x5;
	v9 =	vmov s26;
	v15 =	vmov s6;
	v10 =	vmov s0  }
0xbc: {  	s1 =	sand.u32 $0x78, s29;
	v8 =	vshrl.u32 v8, $0x3;
	v7 =	vshrl.u32 v7, $0x3;
	v9 =	vshrl.u32 v9, $0x3  }
0xbd: {  	s28 =	simm.s32 $0x3;
	v13 =	vmov s1;
	v15 =	vshrl.u32 v15, $0x3;
	v6 =	vbroadcast v6, $0x0  }
0xbe: {  	s0 =	sand.u32 $0x78, s28;
	v8 =	vshll.u32 v8, v4;
	v9 =	vshll.u32 v9, v4;
	v7 =	vshll.u32 v7, v4  }
0xbf: {  	v12 =	vmov s0;
	v11 =	vbroadcast v8, $0x0;
	v8 =	vshrl.u32 v10, $0x3  }
0xc0: {  	s0 =	simm.s32 @!p0 $0x4;
	v10 =	vbroadcast v7, $0x0;
	v9 =	vbroadcast v9, $0x0;
	v12 =	vshrl.u32 v12, $0x3  }
0xc1: {  	_ =	swait.ge @!p0 [sflag:s0], $0x4000;
	v8 =	vshll.u32 v8, v4;
	v7 =	vadd.s32 v0, v6;
	v12 =	vshll.u32 v12, v4  }
0xc2: {  	[sflag:s0] =	ssyncset.done @!p0 $0x0;
	v14 =	vbroadcast v8, $0x0;
	v8 =	vadd.s32 v7, v10;
	v24 =	vadd.s32 v7, v9  }
0xc3: {  	s31 =	simm.s32 $0x2;
	s25 =	simm.s32 $0xA480;
	[sflag:s0] =	ssyncadd.s32 @!p0 $0xFFFFC000;
	v26 =	vadd.s32 v11, v7;
	v12 =	vbroadcast v12, $0x0;
	v16 =	vor.u32 $0x1, v8  }
0xc4: {  	s0 =	sand.u32 $0x78, s31;
	v8 =	vadd.s32 v5, v6;
	v6 =	vshrl.u32 v13, $0x3;
	v18 =	vld [tilespmem:s25+$0xFFFFFFA0];
	v17 =	vadd.s32 v7, v14  }
0xc5: {  	v23 =	vmov s0;
	v6 =	vshll.u32 v6, v4;
	v13 =	vor.u32 $0x7, v17;
	v17 =	vld [tilespmem:s25+$0x60]  }
0xc6: {  	v25 =	vld [tilespmem:s25+$0xFFFFFF80];
	v9 =	vadd.s32 v8, v9;
	v22 =	vadd.s32 v11, v8;
	v20 =	vbroadcast v6, $0x0  }
0xc7: {  	v27 =	vld [tilespmem:s25+$0xFFFFFF90];
	v11 =	vshll.u32 v15, v4;
	v15 =	vadd.s32 v8, v14;
	v6 =	vor.u32 $0x6, v9  }
0xc8: {  	v19 =	vld [tilespmem:s25+$0x20];
	v9 =	vadd.s32 v8, v10;
	v14 =	vadd.s32 v7, v20;
	v20 =	vadd.s32 v8, v20  }
0xc9: {  	v10 =	vld [tilespmem:s25+$0x70];
	v21 =	vor.u32 $0x5, v14;
	v14 =	vor.u32 $0x1, v9;
	v9 =	vor.u32 $0x5, v20  }
0xca: {  	v20 =	vor.u32 $0x7, v15;
	v15 =	vshrl.u32 v23, $0x3;
	v23 =	vbroadcast v11, $0x0;
	v11 =	vld [tilespmem:s25+$0x30];
	[tilespmem:v13+s15+$0x0] =	vst.idx.msk $0xffff, v17  }
0xcb: {  	v13 =	vld [tilespmem:s25+$0xFFFFFFB0];
	[tilespmem:v16+s15+$0x0] =	vst.idx.msk $0xffff, v18;
	v16 =	vadd.s32 v7, v12  }
0xcc: {  	[tilespmem:v26+s15+$0x0] =	vst.idx.msk $0xffff, v25;
	v18 =	vshll.u32 v15, v4;
	v15 =	vld [tilespmem:s25+$0xFFFFFFE0];
	v12 =	vadd.s32 v8, v12;
	v17 =	vor.u32 $0x3, v16  }
0xcd: {  	s26 =	simm.s32 $0xA580;
	[tilespmem:v22+s15+$0x0] =	vst.idx.msk $0xffff, v27;
	v22 =	vbroadcast v18, $0x0;
	v16 =	vld [tilespmem:s25+$0xFFFFFFF0];
	v18 =	vor.u32 $0x3, v12;
	v12 =	vor.u32 $0x6, v24  }
.LBB2_19:
0xce: {  	s0 =	sadd.s32 $0x9, s24  }
0xcf: {  	s1 =	sadd.s32 $0xA, s24;
	v24 =	vadd.s32 v7, v23;
	v23 =	vadd.s32 v8, v23;
	[tilespmem:v21+s15+$0x0] =	vst.idx.msk $0xffff, v19;
	v19 =	vld [tilespmem:s25+$0x50];
	s6 =	smov.u32 s24;
	s24 =	sadd.s32 $0x8, s24  }
0xd0: {  	s28 =	sshrl.u32 s24, $0x7;
	s29 =	sand.u32 $0x78, s24;
	s0 =	sand.u32 $0x78, s0;
	v7 =	vadd.s32 v7, v22;
	v21 =	vor.u32 $0x4, v24;
	v23 =	vor.u32 $0x4, v23;
	v24 =	vld [tilespmem:s25+$0x40];
	[tilespmem:v20+s15+$0x0] =	vst.idx.msk $0xffff, v10  }
0xd1: {  	s30 =	sadd.s32 $0xF, s6;
	v8 =	vadd.s32 v8, v22;
	v10 =	vmov s28;
	v20 =	vmov s0;
	s0 =	sadd.s32 $0xB, s6;
	s28 =	sadd.s32 $0xE, s6;
	[tilespmem:v14+s15+$0x0] =	vst.idx.msk $0xffff, v13;
	v13 =	vld [tilespmem:s25+$0x0]  }
0xd2: {  	v14 =	vmov s29;
	s29 =	sadd.s32 $0xD, s6;
	s30 =	sand.u32 $0x78, s30;
	v7 =	vor.u32 $0x2, v7;
	v10 =	vmul.u32 $0x1100, v10;
	s28 =	sand.u32 $0x78, s28;
	v22 =	vld [tilespmem:s25+$0xFFFFFFC0];
	[tilespmem:v17+s15+$0x0] =	vst.idx.msk $0xffff, v15  }
0xd3: {  	s6 =	sadd.s32 $0xC, s6;
	v8 =	vor.u32 $0x2, v8;
	s0 =	sand.u32 $0x78, s0;
	s29 =	sand.u32 $0x78, s29;
	v17 =	vmov s30;
	v15 =	vmov s28;
	[tilespmem:v18+s15+$0x0] =	vst.idx.msk $0xffff, v16;
	v16 =	vld [tilespmem:s25+$0x10]  }
0xd4: {  	p0 =	slt.u32 s24, $0x1F8;
	v14 =	vshrl.u32 v14, $0x3;
	v18 =	vshrl.u32 v20, $0x3;
	s28 =	sand.u32 $0x78, s1;
	s1 =	sand.u32 $0x78, s6;
	v15 =	vshrl.u32 v15, $0x3;
	v20 =	vld [tilespmem:s25+$0xFFFFFFD0];
	[tilespmem:v9+s15+$0x0] =	vst.idx.msk $0xffff, v11  }
0xd5: {  	v9 =	vbroadcast v10, $0x0;
	v10 =	vshll.u32 v14, v4;
	s25 =	smov.u32 s26;
	v11 =	vshll.u32 v15, v4;
	[tilespmem:v12+s15+$0x0] =	vst.idx.msk $0xffff, v24  }
0xd6: {  	v14 =	vshrl.u32 v17, $0x3;
	v12 =	vbroadcast v10, $0x0;
	v10 =	vshll.u32 v18, v4;
	[tilespmem:v21+s15+$0x0] =	vst.idx.msk $0xffff, v13  }
0xd7: {  	v14 =	vshll.u32 v14, v4;
	v10 =	vbroadcast v10, $0x0;
	v13 =	vmov s0;
	[tilespmem:v7+s15+$0x0] =	vst.idx.msk $0xffff, v22  }
0xd8: {  	v15 =	vmov s29;
	v14 =	vbroadcast v14, $0x0;
	v7 =	vadd.s32 v0, v9;
	[tilespmem:v23+s15+$0x0] =	vst.idx.msk $0xffff, v16  }
0xd9: {  	v17 =	vmov s1;
	v11 =	vbroadcast v11, $0x0;
	v16 =	vadd.s32 v7, v10;
	[tilespmem:v6+s15+$0x0] =	vst.idx.msk $0xffff, v19  }
0xda: {  	v17 =	vshrl.u32 v17, $0x3;
	v16 =	vor.u32 $0x1, v16;
	v6 =	vadd.s32 v7, v14;
	[tilespmem:v8+s15+$0x0] =	vst.idx.msk $0xffff, v20  }
0xdb: {  	v8 =	vadd.s32 v5, v9;
	v9 =	vshrl.u32 v15, $0x3;
	v15 =	vor.u32 $0x7, v6  }
0xdc: {  	v24 =	vadd.s32 v7, v11;
	v6 =	vshll.u32 v9, v4;
	v9 =	vadd.s32 v8, v11;
	v11 =	vld [tilespmem:s26+$0x60]  }
0xdd: {  	v13 =	vshrl.u32 v13, $0x3;
	v20 =	vbroadcast v6, $0x0;
	v6 =	vor.u32 $0x6, v9;
	v18 =	vld [tilespmem:s26+$0xFFFFFFA0]  }
0xde: {  	v13 =	vshll.u32 v13, v4;
	v22 =	vadd.s32 v12, v8;
	v9 =	vadd.s32 v8, v10;
	v10 =	vld [tilespmem:s26+$0x70]  }
0xdf: {  	v17 =	vshll.u32 v17, v4;
	v12 =	vadd.s32 v12, v7;
	v23 =	vadd.s32 v8, v14;
	v25 =	vld [tilespmem:s26+$0xFFFFFF80]  }
0xe0: {  	v27 =	vbroadcast v13, $0x0;
	v13 =	vadd.s32 v7, v20;
	v26 =	vld [tilespmem:s26+$0xFFFFFF90]  }
.Ltmp8:
0xe1: {  	v28 =	vmov s28;
	v20 =	vadd.s32 v8, v20;
	v21 =	vor.u32 $0x5, v13;
	v19 =	vld [tilespmem:s26+$0x20];
	[tilespmem:v15+s15+$0x0] =	vst.idx.msk $0xffff, v11;
	(pc) =	sbr.rel @p0 .LBB2_19-.Ltmp8, $4  }
0xe2: {  	v14 =	vor.u32 $0x1, v9;
	v9 =	vor.u32 $0x5, v20;
	v20 =	vor.u32 $0x7, v23;
	v13 =	vld [tilespmem:s26+$0xFFFFFFB0]  }
0xe3: {  	v23 =	vbroadcast v17, $0x0;
	v15 =	vshrl.u32 v28, $0x3;
	[tilespmem:v16+s15+$0x0] =	vst.idx.msk $0xffff, v18;
	v16 =	vadd.s32 v7, v27;
	v11 =	vld [tilespmem:s26+$0x30]  }
0xe4: {  	v18 =	vadd.s32 v8, v27;
	[tilespmem:v12+s15+$0x0] =	vst.idx.msk $0xffff, v25;
	v12 =	vshll.u32 v15, v4;
	v15 =	vld [tilespmem:s26+$0xFFFFFFE0];
	v17 =	vor.u32 $0x3, v16  }
0xe5: {  	v18 =	vor.u32 $0x3, v18;
	s26 =	sadd.s32 $0x100, s26;
	[tilespmem:v22+s15+$0x0] =	vst.idx.msk $0xffff, v26;
	v22 =	vbroadcast v12, $0x0;
	v16 =	vld [tilespmem:s25+$0xFFFFFFF0];
	v12 =	vor.u32 $0x6, v24  }
0xe6: {  	_ =	sdelay $0x3  }
0xe7: {  	[tilespmem:v21+s15+$0x0] =	vst.idx.msk $0xffff, v19  }
0xe8: {  	v54 =	vadd.s32 v7, v23;
	v55 =	vld [tilespmem:s25+$0x40];
	[tilespmem:v20+s15+$0x0] =	vst.idx.msk $0xffff, v10  }
0xe9: {  	v57 =	vld [tilespmem:s25+$0x0];
	v56 =	vor.u32 $0x4, v54;
	[tilespmem:v14+s15+$0x0] =	vst.idx.msk $0xffff, v13  }
0xea: {  	v61 =	vld [tilespmem:s25+$0x50];
	v7 =	vadd.s32 v7, v22;
	[tilespmem:v9+s15+$0x0] =	vst.idx.msk $0xffff, v11  }
0xeb: {  	v58 =	vadd.s32 v8, v23;
	v59 =	vld [tilespmem:s25+$0xFFFFFFC0];
	v7 =	vor.u32 $0x2, v7;
	[tilespmem:v17+s15+$0x0] =	vst.idx.msk $0xffff, v15  }
0xec: {  	v60 =	vld [tilespmem:s25+$0x10];
	v14 =	vor.u32 $0x4, v58;
	v62 =	vadd.s32 v8, v22;
	[tilespmem:v18+s15+$0x0] =	vst.idx.msk $0xffff, v16  }
0xed: {  	v63 =	vld [tilespmem:s25+$0xFFFFFFD0];
	v8 =	vor.u32 $0x2, v62;
	[tilespmem:v12+s15+$0x0] =	vst.idx.msk $0xffff, v55  }
0xee: {  	[tilespmem:v56+s15+$0x0] =	vst.idx.msk $0xffff, v57  }
0xef: {  	[tilespmem:v6+s15+$0x0] =	vst.idx.msk $0xffff, v61  }
0xf0: {  	[tilespmem:v7+s15+$0x0] =	vst.idx.msk $0xffff, v59  }
0xf1: {  	[tilespmem:v14+s15+$0x0] =	vst.idx.msk $0xffff, v60  }
0xf2: {  	s0 =	sadd.s32 s23, s7;
	s1 =	simm.s32 $0x12800;
	[tilespmem:v8+s15+$0x0] =	vst.idx.msk $0xffff, v63  }
0xf3: {  	[hbm4b:s0+s3] =	stream.linear.scatter [tilespmem:s1], [sflag:$0x4], $0x80, $0x38;
	[tilespmem:$0x16C00] =	vst v63  }
0xf4: {  	s29 =	simm.s32 $0x12888;
	s6 =	sadd.s32 $0x10, s0  }
0xf5: {  	[hbm4b:s6+s3] =	stream.linear.scatter [tilespmem:s29], [sflag:$0x4], $0x80, $0x38;
	[tilespmem:$0x16C00] =	vst v63  }
0xf6: {  	s30 =	simm.s32 $0x12910;
	s24 =	simm.s32 $0x12A20;
	s31 =	sadd.s32 $0x20, s0  }
0xf7: {  	[hbm4b:s31+s3] =	stream.linear.scatter [tilespmem:s30], [sflag:$0x4], $0x80, $0x38;
	[tilespmem:$0x16C00] =	vst v63  }
0xf8: {  	s26 =	simm.s32 $0x12AA8;
	s23 =	sadd.s32 $0x30, s0;
	s6 =	simm.s32 $0x12998  }
0xf9: {  	[hbm4b:s23+s3] =	stream.linear.scatter [tilespmem:s6], [sflag:$0x4], $0x80, $0x38;
	[tilespmem:$0x16C00] =	vst v63  }
0xfa: {  	s25 =	sadd.s32 $0x40, s0;
	s28 =	sadd.s32 $0x70, s0;
	s29 =	sadd.s32 $0x50, s0  }
0xfb: {  	[hbm4b:s25+s3] =	stream.linear.scatter [tilespmem:s24], [sflag:$0x4], $0x80, $0x38;
	[tilespmem:$0x16C00] =	vst v63  }
0xfc: {  	s30 =	simm.s32 $0x12B30;
	s31 =	sadd.s32 $0x60, s0;
	s23 =	simm.s32 $0x440  }
0xfd: {  	[hbm4b:s29+s3] =	stream.linear.scatter [tilespmem:s26], [sflag:$0x4], $0x80, $0x38;
	[tilespmem:$0x16C00] =	vst v63  }
0xfe: {  	s25 =	simm.s32 $0x2200;
	s24 =	sadd.s32 $0x1000, s0;
	s26 =	simm.s32 $0x12BB8  }
0xff: {  	[hbm4b:s31+s3] =	stream.linear.scatter [tilespmem:s30], [sflag:$0x4], $0x80, $0x38;
	[tilespmem:$0x16C00] =	vst v63  }
.LBB2_21:
0x100: {  	[hbm4b:s28+s3] =	stream.linear.scatter [tilespmem:s26], [sflag:$0x4], $0x80, $0x38;
	[tilespmem:$0x16C00] =	vst v63  }
0x101: {  	s0 =	smov.u32 s23;
	s1 =	smov.u32 s25  }
0x102: {  	s23 =	sshra.s32 s1, $0x2;
	s1 =	sadd.s32 $0x1100, s25;
	s6 =	sadd.s32 $0x12800, s0  }
0x103: {  	[hbm4b:s24+s3] =	stream.linear.scatter [tilespmem:s6], [sflag:$0x4], $0x80, $0x38;
	[tilespmem:$0x16C00] =	vst v63  }
0x104: {  	p0 =	sne.s32 s25, $0xFF00;
	s25 =	sadd.s32 $0x10, s24;
	s6 =	sadd.s32 $0x12888, s0  }
0x105: {  	[hbm4b:s25+s3] =	stream.linear.scatter [tilespmem:s6], [sflag:$0x4], $0x80, $0x38;
	[tilespmem:$0x16C00] =	vst v63  }
0x106: {  	s6 =	sadd.s32 $0x12910, s0;
	s25 =	sadd.s32 $0x20, s24  }
0x107: {  	[hbm4b:s25+s3] =	stream.linear.scatter [tilespmem:s6], [sflag:$0x4], $0x80, $0x38;
	[tilespmem:$0x16C00] =	vst v63  }
0x108: {  	s6 =	sadd.s32 $0x12998, s0;
	s25 =	sadd.s32 $0x30, s24  }
0x109: {  	[hbm4b:s25+s3] =	stream.linear.scatter [tilespmem:s6], [sflag:$0x4], $0x80, $0x38;
	[tilespmem:$0x16C00] =	vst v63  }
0x10a: {  	s6 =	sadd.s32 $0x12A20, s0;
	s25 =	sadd.s32 $0x40, s24  }
0x10b: {  	[hbm4b:s25+s3] =	stream.linear.scatter [tilespmem:s6], [sflag:$0x4], $0x80, $0x38;
	[tilespmem:$0x16C00] =	vst v63  }
.Ltmp9:
0x10c: {  	s6 =	sadd.s32 $0x12AA8, s0;
	s25 =	sadd.s32 $0x50, s24;
	(pc) =	sbr.rel @p0 .LBB2_21-.Ltmp9, $4  }
0x10d: {  	[hbm4b:s25+s3] =	stream.linear.scatter [tilespmem:s6], [sflag:$0x4], $0x80, $0x38;
	[tilespmem:$0x16C00] =	vst v63  }
0x10e: {  	s28 =	sadd.s32 $0x70, s24;
	s6 =	sadd.s32 $0x12B30, s0;
	s25 =	sadd.s32 $0x60, s24  }
0x10f: {  	[hbm4b:s25+s3] =	stream.linear.scatter [tilespmem:s6], [sflag:$0x4], $0x80, $0x38;
	[tilespmem:$0x16C00] =	vst v63  }
0x110: {  	s26 =	sadd.s32 $0x12BB8, s0;
	s24 =	sadd.s32 $0x1000, s24;
	s25 =	smov.u32 s1  }
0x111: {  	[hbm4b:s28+s3] =	stream.linear.scatter [tilespmem:s26], [sflag:$0x4], $0x80, $0x38;
	[tilespmem:$0x16C00] =	vst v63  }
0x112: {  	s0 =	sadd.s32 $0x12800, s23  }
0x113: {  	[hbm4b:s24+s3] =	stream.linear.scatter [tilespmem:s0], [sflag:$0x4], $0x80, $0x38;
	[tilespmem:$0x16C00] =	vst v63  }
0x114: {  	s26 =	sadd.s32 $0x12888, s23;
	s1 =	sadd.s32 $0x10, s24  }
0x115: {  	[hbm4b:s1+s3] =	stream.linear.scatter [tilespmem:s26], [sflag:$0x4], $0x80, $0x38;
	[tilespmem:$0x16C00] =	vst v63  }
0x116: {  	s28 =	sadd.s32 $0x12910, s23;
	s29 =	sadd.s32 $0x20, s24  }
0x117: {  	[hbm4b:s29+s3] =	stream.linear.scatter [tilespmem:s28], [sflag:$0x4], $0x80, $0x38;
	[tilespmem:$0x16C00] =	vst v63  }
0x118: {  	s30 =	sadd.s32 $0x12998, s23;
	s31 =	sadd.s32 $0x30, s24  }
0x119: {  	[hbm4b:s31+s3] =	stream.linear.scatter [tilespmem:s30], [sflag:$0x4], $0x80, $0x38;
	[tilespmem:$0x16C00] =	vst v63  }
0x11a: {  	s6 =	sadd.s32 $0x40, s24;
	s1 =	sadd.s32 $0x12A20, s23  }
0x11b: {  	[hbm4b:s6+s3] =	stream.linear.scatter [tilespmem:s1], [sflag:$0x4], $0x80, $0x38;
	[tilespmem:$0x16C00] =	vst v63  }
0x11c: {  	s25 =	sadd.s32 $0x12AA8, s23;
	s26 =	sadd.s32 $0x50, s24  }
0x11d: {  	[hbm4b:s26+s3] =	stream.linear.scatter [tilespmem:s25], [sflag:$0x4], $0x80, $0x38;
	[tilespmem:$0x16C00] =	vst v63  }
.Ltmp10:
0x11e: {  	_ = 	snop;
	(pc) =	sbr.rel @p1 .LBB2_24-.Ltmp10, $4  }
0x11f: {  	s28 =	sadd.s32 $0x12B30, s23;
	s29 =	sadd.s32 $0x60, s24  }
0x120: {  	[hbm4b:s29+s3] =	stream.linear.scatter [tilespmem:s28], [sflag:$0x4], $0x80, $0x38;
	[tilespmem:$0x16C00] =	vst v63  }
0x121: {  	s30 =	sadd.s32 $0x12BB8, s23;
	s31 =	sadd.s32 $0x70, s24  }
0x122: {  	[hbm4b:s31+s3] =	stream.linear.scatter [tilespmem:s30], [sflag:$0x4], $0x80, $0x38;
	[tilespmem:$0x16C00] =	vst v63  }
.Ltmp11:
0x123: {  	(pc) =	sbr.rel .LBB2_2-.Ltmp11, $4  }
0x124: {  	s0 =	sshll.u32 s22, $0xA  }
0x125: {  	s22 =	sadd.s32 $0x1, s22;
	s0 =	sand.u32 $0x3FFFFC00, s0  }
0x126: {  	s21 =	sadd.s32 $0x400, s21;
	s20 =	sadd.s32 $0x400, s20;
	s0 =	sadd.s32 $0x600, s0  }
0x127: {  	[tilespmem:s11], [sflag:$0x2] =	stream.indirect.gather [hbm4b:s4+s18], $0x20, s0, s18, $0xb8;
	[tilespmem:$0x16C00] =	vst v63  }
.LBB2_7:
0x128: {  	s23 =	sadd.s32 $0x10, s23  }
0x129: {  	p0 =	sne.s32 s23, $0x200  }
.Ltmp12:
0x12a: {  	_ = 	snop;
	(pc) =	sbr.rel @!p0 .LBB2_8-.Ltmp12, $2  }
0x12b: {  	_ =	sdelay $0x2  }
0x12c: {  	s24 =	sadd.s32 $0x10, s24  }
.LBB2_5:
0x12d: {  	v6 =	vld [tilespmem:s24+$0x0];
	_ =	sdelay $0x4  }
0x12e: {  	vm0 =	veq.s32 v6, $0x0  }
0x12f: {  	v6 =	vsel vm0, $0x1, v1  }
0x130: {  	(xrf0) =	vadd.scan.msk.s32 $0xffff, v6;
	_ =	sdelay $0x5  }
0x131: {  	v6, _, _ =	vpop (xrf0)  }
0x132: {  	(v2sf) =	vpush v6, $0xF;
	_ =	sdelay $0xe  }
0x133: {  	s25 =	spop (v2sf)  }
0x134: {  	p0 =	slt.s32 s25, $0x1  }
.Ltmp13:
0x135: {  	_ = 	snop;
	(pc) =	sbr.rel @p0 .LBB2_7-.Ltmp13, $1  }
0x136: {  	_ =	sdelay $0x3  }
0x137: {  	v6 =	vmov s23  }
0x138: {  	v6 =	vshll.u32 v6, $0x5  }
0x139: {  	v6 =	vor.u32 v2, v6  }
0x13a: {  	v7 =	vor.u32 $0x1, v6  }
0x13b: {  	v8 =	vor.u32 $0x2, v6  }
0x13c: {  	v9 =	vor.u32 $0x3, v6  }
0x13d: {  	v10 =	vor.u32 $0x4, v6  }
0x13e: {  	v11 =	vor.u32 $0x5, v6;
	[tilespmem:v6+s10+$0x0] =	vst.idx.msk vm0, v3  }
0x13f: {  	[tilespmem:v7+s10+$0x0] =	vst.idx.msk vm0, v3;
	v7 =	vor.u32 $0x6, v6  }
0x140: {  	v44 =	vor.u32 $0x7, v6;
	[tilespmem:v8+s10+$0x0] =	vst.idx.msk vm0, v3  }
0x141: {  	v45 =	vor.u32 $0x8, v6;
	[tilespmem:v9+s10+$0x0] =	vst.idx.msk vm0, v3  }
0x142: {  	v46 =	vor.u32 $0x9, v6;
	[tilespmem:v10+s10+$0x0] =	vst.idx.msk vm0, v3  }
0x143: {  	v47 =	vor.u32 $0xA, v6;
	[tilespmem:v11+s10+$0x0] =	vst.idx.msk vm0, v3  }
0x144: {  	[tilespmem:v7+s10+$0x0] =	vst.idx.msk vm0, v3;
	v7 =	vor.u32 $0xB, v6  }
0x145: {  	v48 =	vor.u32 $0xC, v6;
	[tilespmem:v44+s10+$0x0] =	vst.idx.msk vm0, v3  }
0x146: {  	v49 =	vor.u32 $0xD, v6;
	[tilespmem:v45+s10+$0x0] =	vst.idx.msk vm0, v3  }
0x147: {  	v50 =	vor.u32 $0xE, v6;
	[tilespmem:v46+s10+$0x0] =	vst.idx.msk vm0, v3  }
0x148: {  	v51 =	vor.u32 $0xF, v6;
	[tilespmem:v47+s10+$0x0] =	vst.idx.msk vm0, v3  }
0x149: {  	[tilespmem:v7+s10+$0x0] =	vst.idx.msk vm0, v3;
	v7 =	vor.u32 $0x10, v6  }
0x14a: {  	v52 =	vor.u32 $0x11, v6;
	[tilespmem:v48+s10+$0x0] =	vst.idx.msk vm0, v3  }
0x14b: {  	v53 =	vor.u32 $0x12, v6;
	[tilespmem:v49+s10+$0x0] =	vst.idx.msk vm0, v3  }
0x14c: {  	v54 =	vor.u32 $0x13, v6;
	[tilespmem:v50+s10+$0x0] =	vst.idx.msk vm0, v3  }
0x14d: {  	v55 =	vor.u32 $0x14, v6;
	[tilespmem:v51+s10+$0x0] =	vst.idx.msk vm0, v3  }
0x14e: {  	[tilespmem:v7+s10+$0x0] =	vst.idx.msk vm0, v3;
	v7 =	vor.u32 $0x15, v6  }
0x14f: {  	v56 =	vor.u32 $0x16, v6;
	[tilespmem:v52+s10+$0x0] =	vst.idx.msk vm0, v3  }
0x150: {  	v57 =	vor.u32 $0x17, v6;
	[tilespmem:v53+s10+$0x0] =	vst.idx.msk vm0, v3  }
0x151: {  	v58 =	vor.u32 $0x18, v6;
	[tilespmem:v54+s10+$0x0] =	vst.idx.msk vm0, v3  }
0x152: {  	v59 =	vor.u32 $0x19, v6;
	[tilespmem:v55+s10+$0x0] =	vst.idx.msk vm0, v3  }
0x153: {  	[tilespmem:v7+s10+$0x0] =	vst.idx.msk vm0, v3;
	v7 =	vor.u32 $0x1A, v6  }
0x154: {  	v60 =	vor.u32 $0x1B, v6;
	[tilespmem:v56+s10+$0x0] =	vst.idx.msk vm0, v3  }
0x155: {  	v61 =	vor.u32 $0x1C, v6;
	[tilespmem:v57+s10+$0x0] =	vst.idx.msk vm0, v3  }
0x156: {  	v62 =	vor.u32 $0x1D, v6;
	[tilespmem:v58+s10+$0x0] =	vst.idx.msk vm0, v3  }
0x157: {  	v63 =	vor.u32 $0x1E, v6;
	[tilespmem:v59+s10+$0x0] =	vst.idx.msk vm0, v3  }
0x158: {  	v6 =	vor.u32 $0x1F, v6;
	[tilespmem:v7+s10+$0x0] =	vst.idx.msk vm0, v3  }
.Ltmp14:
0x159: {  	[tilespmem:v60+s10+$0x0] =	vst.idx.msk vm0, v3;
	(pc) =	sbr.rel .LBB2_7-.Ltmp14, $4  }
0x15a: {  	[tilespmem:v61+s10+$0x0] =	vst.idx.msk vm0, v3  }
0x15b: {  	[tilespmem:v62+s10+$0x0] =	vst.idx.msk vm0, v3  }
0x15c: {  	[tilespmem:v63+s10+$0x0] =	vst.idx.msk vm0, v3  }
0x15d: {  	[tilespmem:v6+s10+$0x0] =	vst.idx.msk vm0, v3  }
.LBB2_17:
0x15e: {  	s24 =	sadd.s32 $0x10, s24  }
0x15f: {  	p2 =	sne.s32 s24, $0x200  }
.Ltmp15:
0x160: {  	_ = 	snop;
	(pc) =	sbr.rel @!p2 .LBB2_18-.Ltmp15, $2  }
0x161: {  	_ =	sdelay $0x2  }
0x162: {  	s25 =	sadd.s32 $0x10, s25  }
.LBB2_15:
0x163: {  	v6 =	vld [tilespmem:s25+$0x0];
	_ =	sdelay $0x4  }
0x164: {  	vm0 =	veq.s32 v6, $0x0  }
0x165: {  	v6 =	vsel vm0, $0x1, v1  }
0x166: {  	(xrf0) =	vadd.scan.msk.s32 $0xffff, v6;
	_ =	sdelay $0x5  }
0x167: {  	v6, _, _ =	vpop (xrf0)  }
0x168: {  	(v2sf) =	vpush v6, $0xF;
	_ =	sdelay $0xe  }
0x169: {  	s0 =	spop (v2sf)  }
0x16a: {  	p2 =	slt.s32 s0, $0x1  }
.Ltmp16:
0x16b: {  	_ = 	snop;
	(pc) =	sbr.rel @p2 .LBB2_17-.Ltmp16, $1  }
0x16c: {  	_ =	sdelay $0x3  }
0x16d: {  	v6 =	vmov s24  }
0x16e: {  	v6 =	vshll.u32 v6, $0x5  }
0x16f: {  	v6 =	vor.u32 v2, v6  }
0x170: {  	v7 =	vor.u32 $0x1, v6  }
0x171: {  	v8 =	vor.u32 $0x2, v6  }
0x172: {  	v9 =	vor.u32 $0x3, v6  }
0x173: {  	v10 =	vor.u32 $0x4, v6  }
0x174: {  	v11 =	vor.u32 $0x5, v6;
	[tilespmem:v6+s11+$0x0] =	vst.idx.msk vm0, v3  }
0x175: {  	[tilespmem:v7+s11+$0x0] =	vst.idx.msk vm0, v3;
	v7 =	vor.u32 $0x6, v6  }
0x176: {  	v44 =	vor.u32 $0x7, v6;
	[tilespmem:v8+s11+$0x0] =	vst.idx.msk vm0, v3  }
0x177: {  	v45 =	vor.u32 $0x8, v6;
	[tilespmem:v9+s11+$0x0] =	vst.idx.msk vm0, v3  }
0x178: {  	v46 =	vor.u32 $0x9, v6;
	[tilespmem:v10+s11+$0x0] =	vst.idx.msk vm0, v3  }
0x179: {  	v47 =	vor.u32 $0xA, v6;
	[tilespmem:v11+s11+$0x0] =	vst.idx.msk vm0, v3  }
0x17a: {  	[tilespmem:v7+s11+$0x0] =	vst.idx.msk vm0, v3;
	v7 =	vor.u32 $0xB, v6  }
0x17b: {  	v48 =	vor.u32 $0xC, v6;
	[tilespmem:v44+s11+$0x0] =	vst.idx.msk vm0, v3  }
0x17c: {  	v49 =	vor.u32 $0xD, v6;
	[tilespmem:v45+s11+$0x0] =	vst.idx.msk vm0, v3  }
0x17d: {  	v50 =	vor.u32 $0xE, v6;
	[tilespmem:v46+s11+$0x0] =	vst.idx.msk vm0, v3  }
0x17e: {  	v51 =	vor.u32 $0xF, v6;
	[tilespmem:v47+s11+$0x0] =	vst.idx.msk vm0, v3  }
0x17f: {  	[tilespmem:v7+s11+$0x0] =	vst.idx.msk vm0, v3;
	v7 =	vor.u32 $0x10, v6  }
0x180: {  	v52 =	vor.u32 $0x11, v6;
	[tilespmem:v48+s11+$0x0] =	vst.idx.msk vm0, v3  }
0x181: {  	v53 =	vor.u32 $0x12, v6;
	[tilespmem:v49+s11+$0x0] =	vst.idx.msk vm0, v3  }
0x182: {  	v54 =	vor.u32 $0x13, v6;
	[tilespmem:v50+s11+$0x0] =	vst.idx.msk vm0, v3  }
0x183: {  	v55 =	vor.u32 $0x14, v6;
	[tilespmem:v51+s11+$0x0] =	vst.idx.msk vm0, v3  }
0x184: {  	[tilespmem:v7+s11+$0x0] =	vst.idx.msk vm0, v3;
	v7 =	vor.u32 $0x15, v6  }
0x185: {  	v56 =	vor.u32 $0x16, v6;
	[tilespmem:v52+s11+$0x0] =	vst.idx.msk vm0, v3  }
0x186: {  	v57 =	vor.u32 $0x17, v6;
	[tilespmem:v53+s11+$0x0] =	vst.idx.msk vm0, v3  }
0x187: {  	v58 =	vor.u32 $0x18, v6;
	[tilespmem:v54+s11+$0x0] =	vst.idx.msk vm0, v3  }
0x188: {  	v59 =	vor.u32 $0x19, v6;
	[tilespmem:v55+s11+$0x0] =	vst.idx.msk vm0, v3  }
0x189: {  	[tilespmem:v7+s11+$0x0] =	vst.idx.msk vm0, v3;
	v7 =	vor.u32 $0x1A, v6  }
0x18a: {  	v60 =	vor.u32 $0x1B, v6;
	[tilespmem:v56+s11+$0x0] =	vst.idx.msk vm0, v3  }
0x18b: {  	v61 =	vor.u32 $0x1C, v6;
	[tilespmem:v57+s11+$0x0] =	vst.idx.msk vm0, v3  }
0x18c: {  	v62 =	vor.u32 $0x1D, v6;
	[tilespmem:v58+s11+$0x0] =	vst.idx.msk vm0, v3  }
0x18d: {  	v63 =	vor.u32 $0x1E, v6;
	[tilespmem:v59+s11+$0x0] =	vst.idx.msk vm0, v3  }
0x18e: {  	v6 =	vor.u32 $0x1F, v6;
	[tilespmem:v7+s11+$0x0] =	vst.idx.msk vm0, v3  }
.Ltmp17:
0x18f: {  	[tilespmem:v60+s11+$0x0] =	vst.idx.msk vm0, v3;
	(pc) =	sbr.rel .LBB2_17-.Ltmp17, $4  }
0x190: {  	[tilespmem:v61+s11+$0x0] =	vst.idx.msk vm0, v3  }
0x191: {  	[tilespmem:v62+s11+$0x0] =	vst.idx.msk vm0, v3  }
0x192: {  	[tilespmem:v63+s11+$0x0] =	vst.idx.msk vm0, v3  }
0x193: {  	[tilespmem:v6+s11+$0x0] =	vst.idx.msk vm0, v3  }
.LBB2_25:
0x194: {  	_ =	sfence.sel $0x180000  }
0x195: {  	[bflag:$0x0] =	sbarrier.arrive $0xFFFF  }
0x196: {  	_ =	strace $0x90000047  }
0x197: {  	s0 =	stileid.u32;
	[bflag:$0x2] =	sbarrier.arrive $0xFFFF  }
0x198: {  	p0 =	sne.s32 s0, $0x0;
	s0 =	rddreg [dreg:$0x3]  }
0x199: {  	s0 =	sadd.s32 @!p0 $0x100000, s0  }
0x19a: {  	[sflag:s0] =	ssyncadd.tile.s32 @!p0 $0x1;
	_ =	shalt  }
.Lfunc_end2:
_tile_overlayer_lowered:
.L_overlay_start_2:
0x19b: {  	(tag) =	ssettag $0x2  }
0x19c: {  	s0 =	rddreg [dreg:$0x0];
	s2 =	stileid.u32  }
0x19d: {  	s1 =	rddreg [dreg:$0x1];
	p0 =	sne.s32 s2, $0x0  }
0x19e: {  	s3 =	rddreg [dreg:$0x2];
	[bflag:$0x3] =	sbarrier.arrive $0xFFFF;
	s2 =	simm.s32 @!p0 $0x1C05  }
0x19f: {  	[timem:s3], [sflag:s2] =	dma.local @!p0 [hbm:s0], s1  }
0x1a0: {  	s0 =	simm.s32 @!p0 $0x5  }
0x1a1: {  	_ =	swait.ge @!p0 [sflag:s0], s1  }
0x1a2: {  	s1 =	ssub.s32 @!p0 $0x0, s1;
	[sflag:s0] =	ssyncset.done @!p0 $0x0  }
0x1a3: {  	[sflag:s0] =	ssyncadd.s32 @!p0 s1  }
0x1a4: {  	[bflag:$0x3] =	sbarrier.arrive $0xFFFF  }
0x1a5: {  	_ =	shalt  }

</sc_bundles>
